<compile_context>
chip_gen: v7x
topology: tpu7x:2x2x1
jax: 0.10.2.dev20260603
libtpu: 0.0.44.dev20260713+nightly
codegen_flags: <defaults>
</compile_context>

<pallas_src>
import functools
import jax
import jax.numpy as jnp
from jax import lax
from jax.experimental import pallas as pl
from jax.experimental.pallas import tpu as pltpu
from jax.experimental.pallas import tpu_sc as plsc

_NC, _NS = 2, 16
_NW = _NC * _NS
_CH = 16384


def _sc_add_body(x_hbm, t_hbm, o_hbm, t_buf, x_buf):
    wid = lax.axis_index("s") * _NC + lax.axis_index("c")
    f = t_hbm.shape[0]
    rows_per_w = x_hbm.shape[0] // _NW
    n_ch = f // _CH

    pltpu.sync_copy(t_hbm, t_buf)

    def row_body(r, carry):
        row = wid * rows_per_w + r
        for ch in range(n_ch):
            pltpu.sync_copy(x_hbm.at[row, pl.ds(ch * _CH, _CH)], x_buf)

            def add_body(j, c2):
                sl = pl.ds(j * 16, 16)
                x_buf[sl] = x_buf[sl] + t_buf[pl.ds(ch * _CH + j * 16, 16)]
                return c2

            lax.fori_loop(0, _CH // 16, add_body, 0)
            pltpu.sync_copy(x_buf, o_hbm.at[row, pl.ds(ch * _CH, _CH)])
        return carry

    lax.fori_loop(0, rows_per_w, row_body, 0)


def kernel(patches, pos_table):
    b, n, d = patches.shape
    f = n * d
    x_t = jnp.transpose(patches, (0, 2, 1))
    t_t = jnp.transpose(pos_table, (1, 0))
    xv = (x_t.reshape(b, d // 8, 8, n // 128, 128)
          .transpose(0, 1, 3, 2, 4).reshape(b, f))
    tv = (t_t.reshape(d // 8, 8, n // 128, 128)
          .transpose(0, 2, 1, 3).reshape(f))
    sc_add = functools.partial(
        pl.kernel,
        out_type=jax.ShapeDtypeStruct((b, f), patches.dtype),
        mesh=plsc.VectorSubcoreMesh(core_axis_name="c", subcore_axis_name="s"),
        scratch_types=[
            pltpu.VMEM((f,), jnp.float32),
            pltpu.VMEM((_CH,), jnp.float32),
        ],
    )(_sc_add_body)
    out_flat = sc_add(xv, tv)
    out_t = (out_flat.reshape(b, d // 8, n // 128, 8, 128)
             .transpose(0, 1, 3, 2, 4).reshape(b, d, n))
    return jnp.transpose(out_t, (0, 2, 1))

# --- scband reference (transcript-rebuilt; emitter-appended) ---
"""Pipeline reference for scband-position-embedding-49039936585743 (READ-ONLY COPY).

The authoritative reference and input builder live on the scoring server;
editing this copy changes nothing except your own understanding.
"""

import jax, jax.numpy as jnp
import numpy as np

NUM_PATCHES = 1024
PROJ_DIM = 96
BATCH = 256

def setup_inputs(seed: int = 0) -> dict:
    key = jax.random.key(seed)
    k1, k2 = jax.random.split(key)
    patches = jax.random.normal(k1, (BATCH, NUM_PATCHES, PROJ_DIM), dtype=jnp.float32)
    # learned position embedding table, sized per init_kwargs (num_patches x projection_dim)
    pos_table = jax.random.normal(k2, (NUM_PATCHES, PROJ_DIM), dtype=jnp.float32) * 0.02
    return {"patches": patches, "pos_table": pos_table}

def reference(patches, pos_table):
    # positions = tf.range(0, num_patches)
    positions = jnp.arange(NUM_PATCHES, dtype=jnp.int32)
    # embedding lookup: gather rows of the table by position index
    pos_emb = jnp.take(pos_table, positions, axis=0)  # [num_patches, proj_dim]
    # broadcast-add over batch dimension
    encoded = patches + pos_emb[None, :, :]
    return encoded

if __name__ == "__main__":
    import jax
    _d = setup_inputs()
    print(jax.jit(kernel)(*tuple(_d.values())))

</pallas_src>

<mosaic_0001>
#map = affine_map<(d0, d1) -> (0, 0)>
#map1 = affine_map<(d0, d1) -> (0)>
module attributes {stable_mosaic.version = 14 : i64} {
  func.func @_sc_add_body(%arg0: i32, %arg1: i32, %arg2: memref<256x98304xf32, #tpu.memory_space<hbm>>, %arg3: memref<98304xf32, #tpu.memory_space<hbm>>, %arg4: memref<256x98304xf32, #tpu.memory_space<hbm>>, %arg5: memref<98304xf32, #tpu.memory_space<vmem>>, %arg6: memref<16384xf32, #tpu.memory_space<vmem>>) attributes {dimension_semantics = [#tpu.dimension_semantics<core_parallel>, #tpu.dimension_semantics<subcore_parallel>], iteration_bounds = array<i64: 2, 16>, scalar_prefetch = 0 : i64, scratch_operands = 2 : i64, tpu.core_type = #tpu.core_type<sc_vector_subcore>, window_params = [{transform_indices = #map}, {transform_indices = #map1}, {transform_indices = #map}]} {
    %mul3A = arith.constant 2 : i32
    %mul3A_0 = arith.muli %arg1, %mul3A : i32
    %add3A = arith.addi %mul3A_0, %arg0 : i32
    "tpu.region"() ({
      %run_scoped3A = tpu.sem_alloc : memref<!tpu.dma_semaphore, #tpu.memory_space<semaphore_mem>>
      tpu.enqueue_dma source(%arg3 : memref<98304xf32, #tpu.memory_space<hbm>>) target(%arg5 : memref<98304xf32, #tpu.memory_space<vmem>>) target_semaphore(%run_scoped3A : memref<!tpu.dma_semaphore, #tpu.memory_space<semaphore_mem>>)
      tpu.wait_dma2 semaphore(%run_scoped3A : memref<!tpu.dma_semaphore, #tpu.memory_space<semaphore_mem>>) src(%arg3 : memref<98304xf32, #tpu.memory_space<hbm>>) dst(%arg5 : memref<98304xf32, #tpu.memory_space<vmem>>)
      tpu.yield
    }) : () -> ()
    %scan3A = arith.constant 0 : i32
    %scan3A_1 = arith.constant 0 : i32
    %scan3A_2 = arith.constant 8 : i32
    %scan3A_3 = arith.addi %scan3A_1, %scan3A_2 : i32
    %scan3A_4 = arith.constant 1 : i32
    scf.for %scan3A_6 = %scan3A_1 to %scan3A_3 step %scan3A_4  : i32 {
      %mul3A_7 = arith.constant 8 : i32
      %mul3A_8 = arith.muli %add3A, %mul3A_7 : i32
      %add3A_9 = arith.addi %mul3A_8, %scan3A_6 : i32
      "tpu.region"() ({
        %run_scoped3A = tpu.sem_alloc : memref<!tpu.dma_semaphore, #tpu.memory_space<semaphore_mem>>
        %dma_start3A = arith.constant 0 : i32
        %dma_start3A_46 = tpu.memref_slice %arg2[%add3A_9, %dma_start3A] : memref<256x98304xf32, #tpu.memory_space<hbm>> -> memref<1x16384xf32, #tpu.memory_space<hbm>>
        %dma_start3A_47 = tpu.memref_squeeze %dma_start3A_46 : memref<1x16384xf32, #tpu.memory_space<hbm>> -> memref<16384xf32, #tpu.memory_space<hbm>>
        %dma_start3A_48 = arith.constant 0 : i32
        %dma_start3A_49 = tpu.memref_slice %arg2[%add3A_9, %dma_start3A_48] : memref<256x98304xf32, #tpu.memory_space<hbm>> -> memref<1x16384xf32, #tpu.memory_space<hbm>>
        %dma_start3A_50 = tpu.memref_squeeze %dma_start3A_49 : memref<1x16384xf32, #tpu.memory_space<hbm>> -> memref<16384xf32, #tpu.memory_space<hbm>>
        tpu.enqueue_dma source(%dma_start3A_50 : memref<16384xf32, #tpu.memory_space<hbm>>) target(%arg6 : memref<16384xf32, #tpu.memory_space<vmem>>) target_semaphore(%run_scoped3A : memref<!tpu.dma_semaphore, #tpu.memory_space<semaphore_mem>>)
        %dma_wait3A = arith.constant 0 : i32
        %dma_wait3A_51 = tpu.memref_slice %arg2[%add3A_9, %dma_wait3A] : memref<256x98304xf32, #tpu.memory_space<hbm>> -> memref<1x16384xf32, #tpu.memory_space<hbm>>
        %dma_wait3A_52 = tpu.memref_squeeze %dma_wait3A_51 : memref<1x16384xf32, #tpu.memory_space<hbm>> -> memref<16384xf32, #tpu.memory_space<hbm>>
        %dma_wait3A_53 = arith.constant 0 : i32
        %dma_wait3A_54 = tpu.memref_slice %arg2[%add3A_9, %dma_wait3A_53] : memref<256x98304xf32, #tpu.memory_space<hbm>> -> memref<1x16384xf32, #tpu.memory_space<hbm>>
        %dma_wait3A_55 = tpu.memref_squeeze %dma_wait3A_54 : memref<1x16384xf32, #tpu.memory_space<hbm>> -> memref<16384xf32, #tpu.memory_space<hbm>>
        tpu.wait_dma2 semaphore(%run_scoped3A : memref<!tpu.dma_semaphore, #tpu.memory_space<semaphore_mem>>) src(%dma_wait3A_55 : memref<16384xf32, #tpu.memory_space<hbm>>) dst(%arg6 : memref<16384xf32, #tpu.memory_space<vmem>>)
        tpu.yield
      }) : () -> ()
      %scan3A_10 = arith.constant 0 : i32
      %scan3A_11 = arith.constant 0 : i32
      %scan3A_12 = arith.constant 1024 : i32
      %scan3A_13 = arith.addi %scan3A_11, %scan3A_12 : i32
      %scan3A_14 = arith.constant 1 : i32
      scf.for %scan3A_46 = %scan3A_11 to %scan3A_13 step %scan3A_14  : i32 {
        %mul3A_47 = arith.constant 16 : i32
        %mul3A_48 = arith.muli %scan3A_46, %mul3A_47 : i32
        %get3A = arith.index_cast %mul3A_48 : i32 to index
        %get3A_49 = tpu.vector_load %arg6[%get3A] {strides = array<i32>} : memref<16384xf32, #tpu.memory_space<vmem>>, vector<16xf32>,
        %get3A_50 = vector.shape_cast %get3A_49 : vector<16xf32> to vector<16xf32>
        %mul3A_51 = arith.constant 16 : i32
        %mul3A_52 = arith.muli %scan3A_46, %mul3A_51 : i32
        %add3A_53 = arith.constant 0 : i32
        %add3A_54 = arith.addi %add3A_53, %mul3A_52 : i32
        %get3A_55 = arith.index_cast %add3A_54 : i32 to index
        %get3A_56 = tpu.vector_load %arg5[%get3A_55] {strides = array<i32>} : memref<98304xf32, #tpu.memory_space<vmem>>, vector<16xf32>,
        %get3A_57 = vector.shape_cast %get3A_56 : vector<16xf32> to vector<16xf32>
        %add3A_58 = arith.addf %get3A_50, %get3A_57 : vector<16xf32>
        %swap3A = arith.index_cast %mul3A_48 : i32 to index
        %swap3A_59 = tpu.vector_load %arg6[%swap3A] {strides = array<i32>} : memref<16384xf32, #tpu.memory_space<vmem>>, vector<16xf32>,
        %swap3A_60 = vector.shape_cast %swap3A_59 : vector<16xf32> to vector<16xf32>
        %swap3A_61 = vector.shape_cast %add3A_58 : vector<16xf32> to vector<16xf32>
        tpu.vector_store %arg6[%swap3A], %swap3A_61 {strides = array<i32>} : memref<16384xf32, #tpu.memory_space<vmem>>, vector<16xf32>,
      }
      %scan3A_15 = arith.constant 1024 : i32
      "tpu.region"() ({
        %run_scoped3A = tpu.sem_alloc : memref<!tpu.dma_semaphore, #tpu.memory_space<semaphore_mem>>
        %dma_start3A = arith.constant 0 : i32
        %dma_start3A_46 = tpu.memref_slice %arg4[%add3A_9, %dma_start3A] : memref<256x98304xf32, #tpu.memory_space<hbm>> -> memref<1x16384xf32, #tpu.memory_space<hbm>>
        %dma_start3A_47 = tpu.memref_squeeze %dma_start3A_46 : memref<1x16384xf32, #tpu.memory_space<hbm>> -> memref<16384xf32, #tpu.memory_space<hbm>>
        %dma_start3A_48 = arith.constant 0 : i32
        %dma_start3A_49 = tpu.memref_slice %arg4[%add3A_9, %dma_start3A_48] : memref<256x98304xf32, #tpu.memory_space<hbm>> -> memref<1x16384xf32, #tpu.memory_space<hbm>>
        %dma_start3A_50 = tpu.memref_squeeze %dma_start3A_49 : memref<1x16384xf32, #tpu.memory_space<hbm>> -> memref<16384xf32, #tpu.memory_space<hbm>>
        tpu.enqueue_dma source(%arg6 : memref<16384xf32, #tpu.memory_space<vmem>>) target(%dma_start3A_50 : memref<16384xf32, #tpu.memory_space<hbm>>) target_semaphore(%run_scoped3A : memref<!tpu.dma_semaphore, #tpu.memory_space<semaphore_mem>>)
        %dma_wait3A = arith.constant 0 : i32
        %dma_wait3A_51 = tpu.memref_slice %arg4[%add3A_9, %dma_wait3A] : memref<256x98304xf32, #tpu.memory_space<hbm>> -> memref<1x16384xf32, #tpu.memory_space<hbm>>
        %dma_wait3A_52 = tpu.memref_squeeze %dma_wait3A_51 : memref<1x16384xf32, #tpu.memory_space<hbm>> -> memref<16384xf32, #tpu.memory_space<hbm>>
        %dma_wait3A_53 = arith.constant 0 : i32
        %dma_wait3A_54 = tpu.memref_slice %arg4[%add3A_9, %dma_wait3A_53] : memref<256x98304xf32, #tpu.memory_space<hbm>> -> memref<1x16384xf32, #tpu.memory_space<hbm>>
        %dma_wait3A_55 = tpu.memref_squeeze %dma_wait3A_54 : memref<1x16384xf32, #tpu.memory_space<hbm>> -> memref<16384xf32, #tpu.memory_space<hbm>>
        tpu.wait_dma2 semaphore(%run_scoped3A : memref<!tpu.dma_semaphore, #tpu.memory_space<semaphore_mem>>) src(%arg6 : memref<16384xf32, #tpu.memory_space<vmem>>) dst(%dma_wait3A_55 : memref<16384xf32, #tpu.memory_space<hbm>>)
        tpu.yield
      }) : () -> ()
      "tpu.region"() ({
        %run_scoped3A = tpu.sem_alloc : memref<!tpu.dma_semaphore, #tpu.memory_space<semaphore_mem>>
        %dma_start3A = arith.constant 16384 : i32
        %dma_start3A_46 = tpu.memref_slice %arg2[%add3A_9, %dma_start3A] : memref<256x98304xf32, #tpu.memory_space<hbm>> -> memref<1x16384xf32, #tpu.memory_space<hbm>>
        %dma_start3A_47 = tpu.memref_squeeze %dma_start3A_46 : memref<1x16384xf32, #tpu.memory_space<hbm>> -> memref<16384xf32, #tpu.memory_space<hbm>>
        %dma_start3A_48 = arith.constant 16384 : i32
        %dma_start3A_49 = tpu.memref_slice %arg2[%add3A_9, %dma_start3A_48] : memref<256x98304xf32, #tpu.memory_space<hbm>> -> memref<1x16384xf32, #tpu.memory_space<hbm>>
        %dma_start3A_50 = tpu.memref_squeeze %dma_start3A_49 : memref<1x16384xf32, #tpu.memory_space<hbm>> -> memref<16384xf32, #tpu.memory_space<hbm>>
        tpu.enqueue_dma source(%dma_start3A_50 : memref<16384xf32, #tpu.memory_space<hbm>>) target(%arg6 : memref<16384xf32, #tpu.memory_space<vmem>>) target_semaphore(%run_scoped3A : memref<!tpu.dma_semaphore, #tpu.memory_space<semaphore_mem>>)
        %dma_wait3A = arith.constant 16384 : i32
        %dma_wait3A_51 = tpu.memref_slice %arg2[%add3A_9, %dma_wait3A] : memref<256x98304xf32, #tpu.memory_space<hbm>> -> memref<1x16384xf32, #tpu.memory_space<hbm>>
        %dma_wait3A_52 = tpu.memref_squeeze %dma_wait3A_51 : memref<1x16384xf32, #tpu.memory_space<hbm>> -> memref<16384xf32, #tpu.memory_space<hbm>>
        %dma_wait3A_53 = arith.constant 16384 : i32
        %dma_wait3A_54 = tpu.memref_slice %arg2[%add3A_9, %dma_wait3A_53] : memref<256x98304xf32, #tpu.memory_space<hbm>> -> memref<1x16384xf32, #tpu.memory_space<hbm>>
        %dma_wait3A_55 = tpu.memref_squeeze %dma_wait3A_54 : memref<1x16384xf32, #tpu.memory_space<hbm>> -> memref<16384xf32, #tpu.memory_space<hbm>>
        tpu.wait_dma2 semaphore(%run_scoped3A : memref<!tpu.dma_semaphore, #tpu.memory_space<semaphore_mem>>) src(%dma_wait3A_55 : memref<16384xf32, #tpu.memory_space<hbm>>) dst(%arg6 : memref<16384xf32, #tpu.memory_space<vmem>>)
        tpu.yield
      }) : () -> ()
      %scan3A_16 = arith.constant 0 : i32
      %scan3A_17 = arith.constant 0 : i32
      %scan3A_18 = arith.constant 1024 : i32
      %scan3A_19 = arith.addi %scan3A_17, %scan3A_18 : i32
      %scan3A_20 = arith.constant 1 : i32
      scf.for %scan3A_46 = %scan3A_17 to %scan3A_19 step %scan3A_20  : i32 {
        %mul3A_47 = arith.constant 16 : i32
        %mul3A_48 = arith.muli %scan3A_46, %mul3A_47 : i32
        %get3A = arith.index_cast %mul3A_48 : i32 to index
        %get3A_49 = tpu.vector_load %arg6[%get3A] {strides = array<i32>} : memref<16384xf32, #tpu.memory_space<vmem>>, vector<16xf32>,
        %get3A_50 = vector.shape_cast %get3A_49 : vector<16xf32> to vector<16xf32>
        %mul3A_51 = arith.constant 16 : i32
        %mul3A_52 = arith.muli %scan3A_46, %mul3A_51 : i32
        %add3A_53 = arith.constant 16384 : i32
        %add3A_54 = arith.addi %add3A_53, %mul3A_52 : i32
        %get3A_55 = arith.index_cast %add3A_54 : i32 to index
        %get3A_56 = tpu.vector_load %arg5[%get3A_55] {strides = array<i32>} : memref<98304xf32, #tpu.memory_space<vmem>>, vector<16xf32>,
        %get3A_57 = vector.shape_cast %get3A_56 : vector<16xf32> to vector<16xf32>
        %add3A_58 = arith.addf %get3A_50, %get3A_57 : vector<16xf32>
        %swap3A = arith.index_cast %mul3A_48 : i32 to index
        %swap3A_59 = tpu.vector_load %arg6[%swap3A] {strides = array<i32>} : memref<16384xf32, #tpu.memory_space<vmem>>, vector<16xf32>,
        %swap3A_60 = vector.shape_cast %swap3A_59 : vector<16xf32> to vector<16xf32>
        %swap3A_61 = vector.shape_cast %add3A_58 : vector<16xf32> to vector<16xf32>
        tpu.vector_store %arg6[%swap3A], %swap3A_61 {strides = array<i32>} : memref<16384xf32, #tpu.memory_space<vmem>>, vector<16xf32>,
      }
      %scan3A_21 = arith.constant 1024 : i32
      "tpu.region"() ({
        %run_scoped3A = tpu.sem_alloc : memref<!tpu.dma_semaphore, #tpu.memory_space<semaphore_mem>>
        %dma_start3A = arith.constant 16384 : i32
        %dma_start3A_46 = tpu.memref_slice %arg4[%add3A_9, %dma_start3A] : memref<256x98304xf32, #tpu.memory_space<hbm>> -> memref<1x16384xf32, #tpu.memory_space<hbm>>
        %dma_start3A_47 = tpu.memref_squeeze %dma_start3A_46 : memref<1x16384xf32, #tpu.memory_space<hbm>> -> memref<16384xf32, #tpu.memory_space<hbm>>
        %dma_start3A_48 = arith.constant 16384 : i32
        %dma_start3A_49 = tpu.memref_slice %arg4[%add3A_9, %dma_start3A_48] : memref<256x98304xf32, #tpu.memory_space<hbm>> -> memref<1x16384xf32, #tpu.memory_space<hbm>>
        %dma_start3A_50 = tpu.memref_squeeze %dma_start3A_49 : memref<1x16384xf32, #tpu.memory_space<hbm>> -> memref<16384xf32, #tpu.memory_space<hbm>>
        tpu.enqueue_dma source(%arg6 : memref<16384xf32, #tpu.memory_space<vmem>>) target(%dma_start3A_50 : memref<16384xf32, #tpu.memory_space<hbm>>) target_semaphore(%run_scoped3A : memref<!tpu.dma_semaphore, #tpu.memory_space<semaphore_mem>>)
        %dma_wait3A = arith.constant 16384 : i32
        %dma_wait3A_51 = tpu.memref_slice %arg4[%add3A_9, %dma_wait3A] : memref<256x98304xf32, #tpu.memory_space<hbm>> -> memref<1x16384xf32, #tpu.memory_space<hbm>>
        %dma_wait3A_52 = tpu.memref_squeeze %dma_wait3A_51 : memref<1x16384xf32, #tpu.memory_space<hbm>> -> memref<16384xf32, #tpu.memory_space<hbm>>
        %dma_wait3A_53 = arith.constant 16384 : i32
        %dma_wait3A_54 = tpu.memref_slice %arg4[%add3A_9, %dma_wait3A_53] : memref<256x98304xf32, #tpu.memory_space<hbm>> -> memref<1x16384xf32, #tpu.memory_space<hbm>>
        %dma_wait3A_55 = tpu.memref_squeeze %dma_wait3A_54 : memref<1x16384xf32, #tpu.memory_space<hbm>> -> memref<16384xf32, #tpu.memory_space<hbm>>
        tpu.wait_dma2 semaphore(%run_scoped3A : memref<!tpu.dma_semaphore, #tpu.memory_space<semaphore_mem>>) src(%arg6 : memref<16384xf32, #tpu.memory_space<vmem>>) dst(%dma_wait3A_55 : memref<16384xf32, #tpu.memory_space<hbm>>)
        tpu.yield
      }) : () -> ()
      "tpu.region"() ({
        %run_scoped3A = tpu.sem_alloc : memref<!tpu.dma_semaphore, #tpu.memory_space<semaphore_mem>>
        %dma_start3A = arith.constant 32768 : i32
        %dma_start3A_46 = tpu.memref_slice %arg2[%add3A_9, %dma_start3A] : memref<256x98304xf32, #tpu.memory_space<hbm>> -> memref<1x16384xf32, #tpu.memory_space<hbm>>
        %dma_start3A_47 = tpu.memref_squeeze %dma_start3A_46 : memref<1x16384xf32, #tpu.memory_space<hbm>> -> memref<16384xf32, #tpu.memory_space<hbm>>
        %dma_start3A_48 = arith.constant 32768 : i32
        %dma_start3A_49 = tpu.memref_slice %arg2[%add3A_9, %dma_start3A_48] : memref<256x98304xf32, #tpu.memory_space<hbm>> -> memref<1x16384xf32, #tpu.memory_space<hbm>>
        %dma_start3A_50 = tpu.memref_squeeze %dma_start3A_49 : memref<1x16384xf32, #tpu.memory_space<hbm>> -> memref<16384xf32, #tpu.memory_space<hbm>>
        tpu.enqueue_dma source(%dma_start3A_50 : memref<16384xf32, #tpu.memory_space<hbm>>) target(%arg6 : memref<16384xf32, #tpu.memory_space<vmem>>) target_semaphore(%run_scoped3A : memref<!tpu.dma_semaphore, #tpu.memory_space<semaphore_mem>>)
        %dma_wait3A = arith.constant 32768 : i32
        %dma_wait3A_51 = tpu.memref_slice %arg2[%add3A_9, %dma_wait3A] : memref<256x98304xf32, #tpu.memory_space<hbm>> -> memref<1x16384xf32, #tpu.memory_space<hbm>>
        %dma_wait3A_52 = tpu.memref_squeeze %dma_wait3A_51 : memref<1x16384xf32, #tpu.memory_space<hbm>> -> memref<16384xf32, #tpu.memory_space<hbm>>
        %dma_wait3A_53 = arith.constant 32768 : i32
        %dma_wait3A_54 = tpu.memref_slice %arg2[%add3A_9, %dma_wait3A_53] : memref<256x98304xf32, #tpu.memory_space<hbm>> -> memref<1x16384xf32, #tpu.memory_space<hbm>>
        %dma_wait3A_55 = tpu.memref_squeeze %dma_wait3A_54 : memref<1x16384xf32, #tpu.memory_space<hbm>> -> memref<16384xf32, #tpu.memory_space<hbm>>
        tpu.wait_dma2 semaphore(%run_scoped3A : memref<!tpu.dma_semaphore, #tpu.memory_space<semaphore_mem>>) src(%dma_wait3A_55 : memref<16384xf32, #tpu.memory_space<hbm>>) dst(%arg6 : memref<16384xf32, #tpu.memory_space<vmem>>)
        tpu.yield
      }) : () -> ()
      %scan3A_22 = arith.constant 0 : i32
      %scan3A_23 = arith.constant 0 : i32
      %scan3A_24 = arith.constant 1024 : i32
      %scan3A_25 = arith.addi %scan3A_23, %scan3A_24 : i32
      %scan3A_26 = arith.constant 1 : i32
      scf.for %scan3A_46 = %scan3A_23 to %scan3A_25 step %scan3A_26  : i32 {
        %mul3A_47 = arith.constant 16 : i32
        %mul3A_48 = arith.muli %scan3A_46, %mul3A_47 : i32
        %get3A = arith.index_cast %mul3A_48 : i32 to index
        %get3A_49 = tpu.vector_load %arg6[%get3A] {strides = array<i32>} : memref<16384xf32, #tpu.memory_space<vmem>>, vector<16xf32>,
        %get3A_50 = vector.shape_cast %get3A_49 : vector<16xf32> to vector<16xf32>
        %mul3A_51 = arith.constant 16 : i32
        %mul3A_52 = arith.muli %scan3A_46, %mul3A_51 : i32
        %add3A_53 = arith.constant 32768 : i32
        %add3A_54 = arith.addi %add3A_53, %mul3A_52 : i32
        %get3A_55 = arith.index_cast %add3A_54 : i32 to index
        %get3A_56 = tpu.vector_load %arg5[%get3A_55] {strides = array<i32>} : memref<98304xf32, #tpu.memory_space<vmem>>, vector<16xf32>,
        %get3A_57 = vector.shape_cast %get3A_56 : vector<16xf32> to vector<16xf32>
        %add3A_58 = arith.addf %get3A_50, %get3A_57 : vector<16xf32>
        %swap3A = arith.index_cast %mul3A_48 : i32 to index
        %swap3A_59 = tpu.vector_load %arg6[%swap3A] {strides = array<i32>} : memref<16384xf32, #tpu.memory_space<vmem>>, vector<16xf32>,
        %swap3A_60 = vector.shape_cast %swap3A_59 : vector<16xf32> to vector<16xf32>
        %swap3A_61 = vector.shape_cast %add3A_58 : vector<16xf32> to vector<16xf32>
        tpu.vector_store %arg6[%swap3A], %swap3A_61 {strides = array<i32>} : memref<16384xf32, #tpu.memory_space<vmem>>, vector<16xf32>,
      }
      %scan3A_27 = arith.constant 1024 : i32
      "tpu.region"() ({
        %run_scoped3A = tpu.sem_alloc : memref<!tpu.dma_semaphore, #tpu.memory_space<semaphore_mem>>
        %dma_start3A = arith.constant 32768 : i32
        %dma_start3A_46 = tpu.memref_slice %arg4[%add3A_9, %dma_start3A] : memref<256x98304xf32, #tpu.memory_space<hbm>> -> memref<1x16384xf32, #tpu.memory_space<hbm>>
        %dma_start3A_47 = tpu.memref_squeeze %dma_start3A_46 : memref<1x16384xf32, #tpu.memory_space<hbm>> -> memref<16384xf32, #tpu.memory_space<hbm>>
        %dma_start3A_48 = arith.constant 32768 : i32
        %dma_start3A_49 = tpu.memref_slice %arg4[%add3A_9, %dma_start3A_48] : memref<256x98304xf32, #tpu.memory_space<hbm>> -> memref<1x16384xf32, #tpu.memory_space<hbm>>
        %dma_start3A_50 = tpu.memref_squeeze %dma_start3A_49 : memref<1x16384xf32, #tpu.memory_space<hbm>> -> memref<16384xf32, #tpu.memory_space<hbm>>
        tpu.enqueue_dma source(%arg6 : memref<16384xf32, #tpu.memory_space<vmem>>) target(%dma_start3A_50 : memref<16384xf32, #tpu.memory_space<hbm>>) target_semaphore(%run_scoped3A : memref<!tpu.dma_semaphore, #tpu.memory_space<semaphore_mem>>)
        %dma_wait3A = arith.constant 32768 : i32
        %dma_wait3A_51 = tpu.memref_slice %arg4[%add3A_9, %dma_wait3A] : memref<256x98304xf32, #tpu.memory_space<hbm>> -> memref<1x16384xf32, #tpu.memory_space<hbm>>
        %dma_wait3A_52 = tpu.memref_squeeze %dma_wait3A_51 : memref<1x16384xf32, #tpu.memory_space<hbm>> -> memref<16384xf32, #tpu.memory_space<hbm>>
        %dma_wait3A_53 = arith.constant 32768 : i32
        %dma_wait3A_54 = tpu.memref_slice %arg4[%add3A_9, %dma_wait3A_53] : memref<256x98304xf32, #tpu.memory_space<hbm>> -> memref<1x16384xf32, #tpu.memory_space<hbm>>
        %dma_wait3A_55 = tpu.memref_squeeze %dma_wait3A_54 : memref<1x16384xf32, #tpu.memory_space<hbm>> -> memref<16384xf32, #tpu.memory_space<hbm>>
        tpu.wait_dma2 semaphore(%run_scoped3A : memref<!tpu.dma_semaphore, #tpu.memory_space<semaphore_mem>>) src(%arg6 : memref<16384xf32, #tpu.memory_space<vmem>>) dst(%dma_wait3A_55 : memref<16384xf32, #tpu.memory_space<hbm>>)
        tpu.yield
      }) : () -> ()
      "tpu.region"() ({
        %run_scoped3A = tpu.sem_alloc : memref<!tpu.dma_semaphore, #tpu.memory_space<semaphore_mem>>
        %dma_start3A = arith.constant 49152 : i32
        %dma_start3A_46 = tpu.memref_slice %arg2[%add3A_9, %dma_start3A] : memref<256x98304xf32, #tpu.memory_space<hbm>> -> memref<1x16384xf32, #tpu.memory_space<hbm>>
        %dma_start3A_47 = tpu.memref_squeeze %dma_start3A_46 : memref<1x16384xf32, #tpu.memory_space<hbm>> -> memref<16384xf32, #tpu.memory_space<hbm>>
        %dma_start3A_48 = arith.constant 49152 : i32
        %dma_start3A_49 = tpu.memref_slice %arg2[%add3A_9, %dma_start3A_48] : memref<256x98304xf32, #tpu.memory_space<hbm>> -> memref<1x16384xf32, #tpu.memory_space<hbm>>
        %dma_start3A_50 = tpu.memref_squeeze %dma_start3A_49 : memref<1x16384xf32, #tpu.memory_space<hbm>> -> memref<16384xf32, #tpu.memory_space<hbm>>
        tpu.enqueue_dma source(%dma_start3A_50 : memref<16384xf32, #tpu.memory_space<hbm>>) target(%arg6 : memref<16384xf32, #tpu.memory_space<vmem>>) target_semaphore(%run_scoped3A : memref<!tpu.dma_semaphore, #tpu.memory_space<semaphore_mem>>)
        %dma_wait3A = arith.constant 49152 : i32
        %dma_wait3A_51 = tpu.memref_slice %arg2[%add3A_9, %dma_wait3A] : memref<256x98304xf32, #tpu.memory_space<hbm>> -> memref<1x16384xf32, #tpu.memory_space<hbm>>
        %dma_wait3A_52 = tpu.memref_squeeze %dma_wait3A_51 : memref<1x16384xf32, #tpu.memory_space<hbm>> -> memref<16384xf32, #tpu.memory_space<hbm>>
        %dma_wait3A_53 = arith.constant 49152 : i32
        %dma_wait3A_54 = tpu.memref_slice %arg2[%add3A_9, %dma_wait3A_53] : memref<256x98304xf32, #tpu.memory_space<hbm>> -> memref<1x16384xf32, #tpu.memory_space<hbm>>
        %dma_wait3A_55 = tpu.memref_squeeze %dma_wait3A_54 : memref<1x16384xf32, #tpu.memory_space<hbm>> -> memref<16384xf32, #tpu.memory_space<hbm>>
        tpu.wait_dma2 semaphore(%run_scoped3A : memref<!tpu.dma_semaphore, #tpu.memory_space<semaphore_mem>>) src(%dma_wait3A_55 : memref<16384xf32, #tpu.memory_space<hbm>>) dst(%arg6 : memref<16384xf32, #tpu.memory_space<vmem>>)
        tpu.yield
      }) : () -> ()
      %scan3A_28 = arith.constant 0 : i32
      %scan3A_29 = arith.constant 0 : i32
      %scan3A_30 = arith.constant 1024 : i32
      %scan3A_31 = arith.addi %scan3A_29, %scan3A_30 : i32
      %scan3A_32 = arith.constant 1 : i32
      scf.for %scan3A_46 = %scan3A_29 to %scan3A_31 step %scan3A_32  : i32 {
        %mul3A_47 = arith.constant 16 : i32
        %mul3A_48 = arith.muli %scan3A_46, %mul3A_47 : i32
        %get3A = arith.index_cast %mul3A_48 : i32 to index
        %get3A_49 = tpu.vector_load %arg6[%get3A] {strides = array<i32>} : memref<16384xf32, #tpu.memory_space<vmem>>, vector<16xf32>,
        %get3A_50 = vector.shape_cast %get3A_49 : vector<16xf32> to vector<16xf32>
        %mul3A_51 = arith.constant 16 : i32
        %mul3A_52 = arith.muli %scan3A_46, %mul3A_51 : i32
        %add3A_53 = arith.constant 49152 : i32
        %add3A_54 = arith.addi %add3A_53, %mul3A_52 : i32
        %get3A_55 = arith.index_cast %add3A_54 : i32 to index
        %get3A_56 = tpu.vector_load %arg5[%get3A_55] {strides = array<i32>} : memref<98304xf32, #tpu.memory_space<vmem>>, vector<16xf32>,
        %get3A_57 = vector.shape_cast %get3A_56 : vector<16xf32> to vector<16xf32>
        %add3A_58 = arith.addf %get3A_50, %get3A_57 : vector<16xf32>
        %swap3A = arith.index_cast %mul3A_48 : i32 to index
        %swap3A_59 = tpu.vector_load %arg6[%swap3A] {strides = array<i32>} : memref<16384xf32, #tpu.memory_space<vmem>>, vector<16xf32>,
        %swap3A_60 = vector.shape_cast %swap3A_59 : vector<16xf32> to vector<16xf32>
        %swap3A_61 = vector.shape_cast %add3A_58 : vector<16xf32> to vector<16xf32>
        tpu.vector_store %arg6[%swap3A], %swap3A_61 {strides = array<i32>} : memref<16384xf32, #tpu.memory_space<vmem>>, vector<16xf32>,
      }
      %scan3A_33 = arith.constant 1024 : i32
      "tpu.region"() ({
        %run_scoped3A = tpu.sem_alloc : memref<!tpu.dma_semaphore, #tpu.memory_space<semaphore_mem>>
        %dma_start3A = arith.constant 49152 : i32
        %dma_start3A_46 = tpu.memref_slice %arg4[%add3A_9, %dma_start3A] : memref<256x98304xf32, #tpu.memory_space<hbm>> -> memref<1x16384xf32, #tpu.memory_space<hbm>>
        %dma_start3A_47 = tpu.memref_squeeze %dma_start3A_46 : memref<1x16384xf32, #tpu.memory_space<hbm>> -> memref<16384xf32, #tpu.memory_space<hbm>>
        %dma_start3A_48 = arith.constant 49152 : i32
        %dma_start3A_49 = tpu.memref_slice %arg4[%add3A_9, %dma_start3A_48] : memref<256x98304xf32, #tpu.memory_space<hbm>> -> memref<1x16384xf32, #tpu.memory_space<hbm>>
        %dma_start3A_50 = tpu.memref_squeeze %dma_start3A_49 : memref<1x16384xf32, #tpu.memory_space<hbm>> -> memref<16384xf32, #tpu.memory_space<hbm>>
        tpu.enqueue_dma source(%arg6 : memref<16384xf32, #tpu.memory_space<vmem>>) target(%dma_start3A_50 : memref<16384xf32, #tpu.memory_space<hbm>>) target_semaphore(%run_scoped3A : memref<!tpu.dma_semaphore, #tpu.memory_space<semaphore_mem>>)
        %dma_wait3A = arith.constant 49152 : i32
        %dma_wait3A_51 = tpu.memref_slice %arg4[%add3A_9, %dma_wait3A] : memref<256x98304xf32, #tpu.memory_space<hbm>> -> memref<1x16384xf32, #tpu.memory_space<hbm>>
        %dma_wait3A_52 = tpu.memref_squeeze %dma_wait3A_51 : memref<1x16384xf32, #tpu.memory_space<hbm>> -> memref<16384xf32, #tpu.memory_space<hbm>>
        %dma_wait3A_53 = arith.constant 49152 : i32
        %dma_wait3A_54 = tpu.memref_slice %arg4[%add3A_9, %dma_wait3A_53] : memref<256x98304xf32, #tpu.memory_space<hbm>> -> memref<1x16384xf32, #tpu.memory_space<hbm>>
        %dma_wait3A_55 = tpu.memref_squeeze %dma_wait3A_54 : memref<1x16384xf32, #tpu.memory_space<hbm>> -> memref<16384xf32, #tpu.memory_space<hbm>>
        tpu.wait_dma2 semaphore(%run_scoped3A : memref<!tpu.dma_semaphore, #tpu.memory_space<semaphore_mem>>) src(%arg6 : memref<16384xf32, #tpu.memory_space<vmem>>) dst(%dma_wait3A_55 : memref<16384xf32, #tpu.memory_space<hbm>>)
        tpu.yield
      }) : () -> ()
      "tpu.region"() ({
        %run_scoped3A = tpu.sem_alloc : memref<!tpu.dma_semaphore, #tpu.memory_space<semaphore_mem>>
        %dma_start3A = arith.constant 65536 : i32
        %dma_start3A_46 = tpu.memref_slice %arg2[%add3A_9, %dma_start3A] : memref<256x98304xf32, #tpu.memory_space<hbm>> -> memref<1x16384xf32, #tpu.memory_space<hbm>>
        %dma_start3A_47 = tpu.memref_squeeze %dma_start3A_46 : memref<1x16384xf32, #tpu.memory_space<hbm>> -> memref<16384xf32, #tpu.memory_space<hbm>>
        %dma_start3A_48 = arith.constant 65536 : i32
        %dma_start3A_49 = tpu.memref_slice %arg2[%add3A_9, %dma_start3A_48] : memref<256x98304xf32, #tpu.memory_space<hbm>> -> memref<1x16384xf32, #tpu.memory_space<hbm>>
        %dma_start3A_50 = tpu.memref_squeeze %dma_start3A_49 : memref<1x16384xf32, #tpu.memory_space<hbm>> -> memref<16384xf32, #tpu.memory_space<hbm>>
        tpu.enqueue_dma source(%dma_start3A_50 : memref<16384xf32, #tpu.memory_space<hbm>>) target(%arg6 : memref<16384xf32, #tpu.memory_space<vmem>>) target_semaphore(%run_scoped3A : memref<!tpu.dma_semaphore, #tpu.memory_space<semaphore_mem>>)
        %dma_wait3A = arith.constant 65536 : i32
        %dma_wait3A_51 = tpu.memref_slice %arg2[%add3A_9, %dma_wait3A] : memref<256x98304xf32, #tpu.memory_space<hbm>> -> memref<1x16384xf32, #tpu.memory_space<hbm>>
        %dma_wait3A_52 = tpu.memref_squeeze %dma_wait3A_51 : memref<1x16384xf32, #tpu.memory_space<hbm>> -> memref<16384xf32, #tpu.memory_space<hbm>>
        %dma_wait3A_53 = arith.constant 65536 : i32
        %dma_wait3A_54 = tpu.memref_slice %arg2[%add3A_9, %dma_wait3A_53] : memref<256x98304xf32, #tpu.memory_space<hbm>> -> memref<1x16384xf32, #tpu.memory_space<hbm>>
        %dma_wait3A_55 = tpu.memref_squeeze %dma_wait3A_54 : memref<1x16384xf32, #tpu.memory_space<hbm>> -> memref<16384xf32, #tpu.memory_space<hbm>>
        tpu.wait_dma2 semaphore(%run_scoped3A : memref<!tpu.dma_semaphore, #tpu.memory_space<semaphore_mem>>) src(%dma_wait3A_55 : memref<16384xf32, #tpu.memory_space<hbm>>) dst(%arg6 : memref<16384xf32, #tpu.memory_space<vmem>>)
        tpu.yield
      }) : () -> ()
      %scan3A_34 = arith.constant 0 : i32
      %scan3A_35 = arith.constant 0 : i32
      %scan3A_36 = arith.constant 1024 : i32
      %scan3A_37 = arith.addi %scan3A_35, %scan3A_36 : i32
      %scan3A_38 = arith.constant 1 : i32
      scf.for %scan3A_46 = %scan3A_35 to %scan3A_37 step %scan3A_38  : i32 {
        %mul3A_47 = arith.constant 16 : i32
        %mul3A_48 = arith.muli %scan3A_46, %mul3A_47 : i32
        %get3A = arith.index_cast %mul3A_48 : i32 to index
        %get3A_49 = tpu.vector_load %arg6[%get3A] {strides = array<i32>} : memref<16384xf32, #tpu.memory_space<vmem>>, vector<16xf32>,
        %get3A_50 = vector.shape_cast %get3A_49 : vector<16xf32> to vector<16xf32>
        %mul3A_51 = arith.constant 16 : i32
        %mul3A_52 = arith.muli %scan3A_46, %mul3A_51 : i32
        %add3A_53 = arith.constant 65536 : i32
        %add3A_54 = arith.addi %add3A_53, %mul3A_52 : i32
        %get3A_55 = arith.index_cast %add3A_54 : i32 to index
        %get3A_56 = tpu.vector_load %arg5[%get3A_55] {strides = array<i32>} : memref<98304xf32, #tpu.memory_space<vmem>>, vector<16xf32>,
        %get3A_57 = vector.shape_cast %get3A_56 : vector<16xf32> to vector<16xf32>
        %add3A_58 = arith.addf %get3A_50, %get3A_57 : vector<16xf32>
        %swap3A = arith.index_cast %mul3A_48 : i32 to index
        %swap3A_59 = tpu.vector_load %arg6[%swap3A] {strides = array<i32>} : memref<16384xf32, #tpu.memory_space<vmem>>, vector<16xf32>,
        %swap3A_60 = vector.shape_cast %swap3A_59 : vector<16xf32> to vector<16xf32>
        %swap3A_61 = vector.shape_cast %add3A_58 : vector<16xf32> to vector<16xf32>
        tpu.vector_store %arg6[%swap3A], %swap3A_61 {strides = array<i32>} : memref<16384xf32, #tpu.memory_space<vmem>>, vector<16xf32>,
      }
      %scan3A_39 = arith.constant 1024 : i32
      "tpu.region"() ({
        %run_scoped3A = tpu.sem_alloc : memref<!tpu.dma_semaphore, #tpu.memory_space<semaphore_mem>>
        %dma_start3A = arith.constant 65536 : i32
        %dma_start3A_46 = tpu.memref_slice %arg4[%add3A_9, %dma_start3A] : memref<256x98304xf32, #tpu.memory_space<hbm>> -> memref<1x16384xf32, #tpu.memory_space<hbm>>
        %dma_start3A_47 = tpu.memref_squeeze %dma_start3A_46 : memref<1x16384xf32, #tpu.memory_space<hbm>> -> memref<16384xf32, #tpu.memory_space<hbm>>
        %dma_start3A_48 = arith.constant 65536 : i32
        %dma_start3A_49 = tpu.memref_slice %arg4[%add3A_9, %dma_start3A_48] : memref<256x98304xf32, #tpu.memory_space<hbm>> -> memref<1x16384xf32, #tpu.memory_space<hbm>>
        %dma_start3A_50 = tpu.memref_squeeze %dma_start3A_49 : memref<1x16384xf32, #tpu.memory_space<hbm>> -> memref<16384xf32, #tpu.memory_space<hbm>>
        tpu.enqueue_dma source(%arg6 : memref<16384xf32, #tpu.memory_space<vmem>>) target(%dma_start3A_50 : memref<16384xf32, #tpu.memory_space<hbm>>) target_semaphore(%run_scoped3A : memref<!tpu.dma_semaphore, #tpu.memory_space<semaphore_mem>>)
        %dma_wait3A = arith.constant 65536 : i32
        %dma_wait3A_51 = tpu.memref_slice %arg4[%add3A_9, %dma_wait3A] : memref<256x98304xf32, #tpu.memory_space<hbm>> -> memref<1x16384xf32, #tpu.memory_space<hbm>>
        %dma_wait3A_52 = tpu.memref_squeeze %dma_wait3A_51 : memref<1x16384xf32, #tpu.memory_space<hbm>> -> memref<16384xf32, #tpu.memory_space<hbm>>
        %dma_wait3A_53 = arith.constant 65536 : i32
        %dma_wait3A_54 = tpu.memref_slice %arg4[%add3A_9, %dma_wait3A_53] : memref<256x98304xf32, #tpu.memory_space<hbm>> -> memref<1x16384xf32, #tpu.memory_space<hbm>>
        %dma_wait3A_55 = tpu.memref_squeeze %dma_wait3A_54 : memref<1x16384xf32, #tpu.memory_space<hbm>> -> memref<16384xf32, #tpu.memory_space<hbm>>
        tpu.wait_dma2 semaphore(%run_scoped3A : memref<!tpu.dma_semaphore, #tpu.memory_space<semaphore_mem>>) src(%arg6 : memref<16384xf32, #tpu.memory_space<vmem>>) dst(%dma_wait3A_55 : memref<16384xf32, #tpu.memory_space<hbm>>)
        tpu.yield
      }) : () -> ()
      "tpu.region"() ({
        %run_scoped3A = tpu.sem_alloc : memref<!tpu.dma_semaphore, #tpu.memory_space<semaphore_mem>>
        %dma_start3A = arith.constant 81920 : i32
        %dma_start3A_46 = tpu.memref_slice %arg2[%add3A_9, %dma_start3A] : memref<256x98304xf32, #tpu.memory_space<hbm>> -> memref<1x16384xf32, #tpu.memory_space<hbm>>
        %dma_start3A_47 = tpu.memref_squeeze %dma_start3A_46 : memref<1x16384xf32, #tpu.memory_space<hbm>> -> memref<16384xf32, #tpu.memory_space<hbm>>
        %dma_start3A_48 = arith.constant 81920 : i32
        %dma_start3A_49 = tpu.memref_slice %arg2[%add3A_9, %dma_start3A_48] : memref<256x98304xf32, #tpu.memory_space<hbm>> -> memref<1x16384xf32, #tpu.memory_space<hbm>>
        %dma_start3A_50 = tpu.memref_squeeze %dma_start3A_49 : memref<1x16384xf32, #tpu.memory_space<hbm>> -> memref<16384xf32, #tpu.memory_space<hbm>>
        tpu.enqueue_dma source(%dma_start3A_50 : memref<16384xf32, #tpu.memory_space<hbm>>) target(%arg6 : memref<16384xf32, #tpu.memory_space<vmem>>) target_semaphore(%run_scoped3A : memref<!tpu.dma_semaphore, #tpu.memory_space<semaphore_mem>>)
        %dma_wait3A = arith.constant 81920 : i32
        %dma_wait3A_51 = tpu.memref_slice %arg2[%add3A_9, %dma_wait3A] : memref<256x98304xf32, #tpu.memory_space<hbm>> -> memref<1x16384xf32, #tpu.memory_space<hbm>>
        %dma_wait3A_52 = tpu.memref_squeeze %dma_wait3A_51 : memref<1x16384xf32, #tpu.memory_space<hbm>> -> memref<16384xf32, #tpu.memory_space<hbm>>
        %dma_wait3A_53 = arith.constant 81920 : i32
        %dma_wait3A_54 = tpu.memref_slice %arg2[%add3A_9, %dma_wait3A_53] : memref<256x98304xf32, #tpu.memory_space<hbm>> -> memref<1x16384xf32, #tpu.memory_space<hbm>>
        %dma_wait3A_55 = tpu.memref_squeeze %dma_wait3A_54 : memref<1x16384xf32, #tpu.memory_space<hbm>> -> memref<16384xf32, #tpu.memory_space<hbm>>
        tpu.wait_dma2 semaphore(%run_scoped3A : memref<!tpu.dma_semaphore, #tpu.memory_space<semaphore_mem>>) src(%dma_wait3A_55 : memref<16384xf32, #tpu.memory_space<hbm>>) dst(%arg6 : memref<16384xf32, #tpu.memory_space<vmem>>)
        tpu.yield
      }) : () -> ()
      %scan3A_40 = arith.constant 0 : i32
      %scan3A_41 = arith.constant 0 : i32
      %scan3A_42 = arith.constant 1024 : i32
      %scan3A_43 = arith.addi %scan3A_41, %scan3A_42 : i32
      %scan3A_44 = arith.constant 1 : i32
      scf.for %scan3A_46 = %scan3A_41 to %scan3A_43 step %scan3A_44  : i32 {
        %mul3A_47 = arith.constant 16 : i32
        %mul3A_48 = arith.muli %scan3A_46, %mul3A_47 : i32
        %get3A = arith.index_cast %mul3A_48 : i32 to index
        %get3A_49 = tpu.vector_load %arg6[%get3A] {strides = array<i32>} : memref<16384xf32, #tpu.memory_space<vmem>>, vector<16xf32>,
        %get3A_50 = vector.shape_cast %get3A_49 : vector<16xf32> to vector<16xf32>
        %mul3A_51 = arith.constant 16 : i32
        %mul3A_52 = arith.muli %scan3A_46, %mul3A_51 : i32
        %add3A_53 = arith.constant 81920 : i32
        %add3A_54 = arith.addi %add3A_53, %mul3A_52 : i32
        %get3A_55 = arith.index_cast %add3A_54 : i32 to index
        %get3A_56 = tpu.vector_load %arg5[%get3A_55] {strides = array<i32>} : memref<98304xf32, #tpu.memory_space<vmem>>, vector<16xf32>,
        %get3A_57 = vector.shape_cast %get3A_56 : vector<16xf32> to vector<16xf32>
        %add3A_58 = arith.addf %get3A_50, %get3A_57 : vector<16xf32>
        %swap3A = arith.index_cast %mul3A_48 : i32 to index
        %swap3A_59 = tpu.vector_load %arg6[%swap3A] {strides = array<i32>} : memref<16384xf32, #tpu.memory_space<vmem>>, vector<16xf32>,
        %swap3A_60 = vector.shape_cast %swap3A_59 : vector<16xf32> to vector<16xf32>
        %swap3A_61 = vector.shape_cast %add3A_58 : vector<16xf32> to vector<16xf32>
        tpu.vector_store %arg6[%swap3A], %swap3A_61 {strides = array<i32>} : memref<16384xf32, #tpu.memory_space<vmem>>, vector<16xf32>,
      }
      %scan3A_45 = arith.constant 1024 : i32
      "tpu.region"() ({
        %run_scoped3A = tpu.sem_alloc : memref<!tpu.dma_semaphore, #tpu.memory_space<semaphore_mem>>
        %dma_start3A = arith.constant 81920 : i32
        %dma_start3A_46 = tpu.memref_slice %arg4[%add3A_9, %dma_start3A] : memref<256x98304xf32, #tpu.memory_space<hbm>> -> memref<1x16384xf32, #tpu.memory_space<hbm>>
        %dma_start3A_47 = tpu.memref_squeeze %dma_start3A_46 : memref<1x16384xf32, #tpu.memory_space<hbm>> -> memref<16384xf32, #tpu.memory_space<hbm>>
        %dma_start3A_48 = arith.constant 81920 : i32
        %dma_start3A_49 = tpu.memref_slice %arg4[%add3A_9, %dma_start3A_48] : memref<256x98304xf32, #tpu.memory_space<hbm>> -> memref<1x16384xf32, #tpu.memory_space<hbm>>
        %dma_start3A_50 = tpu.memref_squeeze %dma_start3A_49 : memref<1x16384xf32, #tpu.memory_space<hbm>> -> memref<16384xf32, #tpu.memory_space<hbm>>
        tpu.enqueue_dma source(%arg6 : memref<16384xf32, #tpu.memory_space<vmem>>) target(%dma_start3A_50 : memref<16384xf32, #tpu.memory_space<hbm>>) target_semaphore(%run_scoped3A : memref<!tpu.dma_semaphore, #tpu.memory_space<semaphore_mem>>)
        %dma_wait3A = arith.constant 81920 : i32
        %dma_wait3A_51 = tpu.memref_slice %arg4[%add3A_9, %dma_wait3A] : memref<256x98304xf32, #tpu.memory_space<hbm>> -> memref<1x16384xf32, #tpu.memory_space<hbm>>
        %dma_wait3A_52 = tpu.memref_squeeze %dma_wait3A_51 : memref<1x16384xf32, #tpu.memory_space<hbm>> -> memref<16384xf32, #tpu.memory_space<hbm>>
        %dma_wait3A_53 = arith.constant 81920 : i32
        %dma_wait3A_54 = tpu.memref_slice %arg4[%add3A_9, %dma_wait3A_53] : memref<256x98304xf32, #tpu.memory_space<hbm>> -> memref<1x16384xf32, #tpu.memory_space<hbm>>
        %dma_wait3A_55 = tpu.memref_squeeze %dma_wait3A_54 : memref<1x16384xf32, #tpu.memory_space<hbm>> -> memref<16384xf32, #tpu.memory_space<hbm>>
        tpu.wait_dma2 semaphore(%run_scoped3A : memref<!tpu.dma_semaphore, #tpu.memory_space<semaphore_mem>>) src(%arg6 : memref<16384xf32, #tpu.memory_space<vmem>>) dst(%dma_wait3A_55 : memref<16384xf32, #tpu.memory_space<hbm>>)
        tpu.yield
      }) : () -> ()
    }
    %scan3A_5 = arith.constant 8 : i32
    return
  }
}

</mosaic_0001>

<sc_bundles>
// kernel: kernel.3.cloned.1.call-start
scs
__scs_entry_jumppad:
0x0: {  	(pc) =	sbr.rel $0x88, $3  }
0x1: {  	(tag) =	ssettag $0x0;
	lr =	simm.s32 $0x1  }
0x2: {  	[smem:$0x3F9F] =	sst lr;
	_ =	strace $0xD0000000  }
0x3: {  	_ = 	snop  }
0x4: {  	_ = 	snop  }
0x5: {  	_ = 	snop  }
0x6: {  	_ = 	snop  }
0x7: {  	_ = 	snop  }
__scs_overlays_trampoline_lowered:
0x8: {  	[smem:$0x3FAE] =	sst s0  }
0x9: {  	[smem:$0x3FAF] =	sst s1  }
0xa: {  	[smem:$0x3FB0] =	sst s2  }
0xb: {  	[smem:$0x3FB1] =	sst s3  }
0xc: {  	[smem:$0x3FB2] =	sst s4  }
0xd: {  	[smem:$0x3FB3] =	sst s5  }
0xe: {  	[smem:$0x3FB4] =	sst s6  }
0xf: {  	[smem:$0x3FB5] =	sst s7  }
0x10: {  	[smem:$0x3FB6] =	sst s8  }
0x11: {  	[smem:$0x3FB7] =	sst s9;
	s0 =	simm.s32 @!p0 $0x0  }
0x12: {  	s1 =	sld [smem:$0x3F9D];
	s0 =	simm.s32 @p0 $0x1  }
0x13: {  	[smem:$0x3FB8] =	sst s0;
	s0 =	simm.s32 @!p1 $0x0  }
0x14: {  	s2 =	sld [smem:$0x3F9C];
	s0 =	simm.s32 @p1 $0x1  }
0x15: {  	[smem:$0x3FB9] =	sst s0;
	s0 =	simm.s32 @!p2 $0x0  }
0x16: {  	s3 =	sld [smem:$0x3FDB];
	s0 =	simm.s32 @p2 $0x1  }
0x17: {  	s4 =	simm.s32 $0x1BF5;
	[smem:$0x3FBB] =	sst s0  }
0x18: {  	s0 =	sld [smem:$0x3F9E];
	_ =	swait.ge [sflag:s4], $0x0  }
0x19: {  	s7 =	sld [smem:$0x3F9F]  }
0x1a: {  	s8 =	sadd.s32 $0xFFFFE003, lr  }
0x1b: {  	s9 =	sadd.s32 $0xFFFFFEF7, lr;
	s5 =	simm.s32 $0xFFFFFFFF;
	p2 =	slt.u32 s8, $0xFFFFF086  }
0x1c: {  	p1 =	slt.u32 s9, $0xF7A;
	s5 =	simm.s32 @!p2 $0x0  }
0x1d: {  	s5 =	simm.s32 @p1 $0x1;
	p0 =	seq.s32 s7, s2  }
0x1e: {  	s7 =	smul.u32 @!p0 $0xF7A, s2;
	p2 =	seq.s32 @!p0 s5, $0x0  }
0x1f: {  	s9 =	smul.u32 $0xF7A, s1;
	s8 =	simm.s32 @!p0 $0x1BF5;
	p2 =	por !p2, p0  }
0x20: {  	[sflag:s8] =	ssyncset.s32 @!p0 $0xFFFFF086;
	s6 =	sadd.s32 @!p0 s3, s7;
	s7 =	simm.s32 @!p0 $0x108  }
0x21: {  	s3 =	sadd.s32 s3, s9;
	s6 =	sadd.s32 @!p0 $0x88, s6;
	s7 =	simm.s32 @p2 $0x1082  }
0x22: {  	[simem:s7], [sflag:s8] =	dma.local @!p0 [hbm:s6], $0xF7A  }
0x23: {  	s9 =	sor.u32 $0xD0000000, s2;
	s6 =	simm.s32 $0x108;
	_ =	swait.ge @!p0 [sflag:s8], $0x0  }
0x24: {  	s3 =	sadd.s32 $0x88, s3;
	s6 =	simm.s32 @!p1 $0x1082;
	[sflag:s4] =	ssyncset.s32 $0xFFFFF086  }
0x25: {  	[simem:s6], [sflag:s4] =	dma.local [hbm:s3], $0xF7A  }
0x26: {  	[smem:$0x3F9F] =	sst s1;
	(tag) =	ssettag s2;
	_ =	strace s9  }
0x27: {  	s1 =	sld [smem:$0x3FAF]  }
0x28: {  	s2 =	sld [smem:$0x3FB0]  }
0x29: {  	s4 =	sld [smem:$0x3FB2]  }
0x2a: {  	p0 =	seq.s32 s5, $0x0;
	s5 =	sld [smem:$0x3FB3]  }
0x2b: {  	s6 =	sld [smem:$0x3FB4]  }
0x2c: {  	s7 =	sld [smem:$0x3FB5]  }
0x2d: {  	s3 =	simm.s32 $0x108;
	s8 =	sld [smem:$0x3FB6]  }
0x2e: {  	s3 =	simm.s32 @!p0 $0x1082;
	s9 =	sld [smem:$0x3FB7]  }
0x2f: {  	lr =	sadd.s32 s0, s3;
	s0 =	sld [smem:$0x3FAE]  }
0x30: {  	s3 =	sld [smem:$0x3FB1]  }
0x31: {  	[smem:$0x3FBA] =	sst s10  }
0x32: {  	s10 =	sld [smem:$0x3FB8];
	_ =	sdelay $0x3  }
0x33: {  	p0 =	seq.s32 s10, $0x1;
	s10 =	sld [smem:$0x3FBA];
	_ =	sdelay $0x3  }
0x34: {  	[smem:$0x3FBA] =	sst s10  }
0x35: {  	s10 =	sld [smem:$0x3FB9];
	_ =	sdelay $0x3  }
0x36: {  	p1 =	seq.s32 s10, $0x1;
	s10 =	sld [smem:$0x3FBA];
	_ =	sdelay $0x3  }
0x37: {  	[smem:$0x3FBA] =	sst s10  }
0x38: {  	s10 =	sld [smem:$0x3FBB]  }
0x39: {  	_ = 	snop;
	(pc) =	sbr.ind lr, $3  }
0x3a: {  	_ = 	snop  }
0x3b: {  	_ = 	snop  }
0x3c: {  	p2 =	seq.s32 s10, $0x1;
	s10 =	sld [smem:$0x3FBA]  }
0x3d: {  	_ =	shalt  }
0x3e: {  	_ =	shalt  }
0x3f: {  	_ =	shalt  }
0x40: {  	_ =	shalt  }
0x41: {  	_ =	shalt  }
0x42: {  	_ =	shalt  }
0x43: {  	_ =	shalt  }
0x44: {  	_ =	shalt  }
0x45: {  	_ =	shalt  }
0x46: {  	_ =	shalt  }
0x47: {  	_ =	shalt  }
0x48: {  	_ =	shalt  }
0x49: {  	_ =	shalt  }
0x4a: {  	_ =	shalt  }
0x4b: {  	_ =	shalt  }
0x4c: {  	_ =	shalt  }
0x4d: {  	_ =	shalt  }
0x4e: {  	_ =	shalt  }
0x4f: {  	_ =	shalt  }
0x50: {  	_ =	shalt  }
0x51: {  	_ =	shalt  }
0x52: {  	_ =	shalt  }
0x53: {  	_ =	shalt  }
0x54: {  	_ =	shalt  }
0x55: {  	_ =	shalt  }
0x56: {  	_ =	shalt  }
0x57: {  	_ =	shalt  }
0x58: {  	_ =	shalt  }
0x59: {  	_ =	shalt  }
0x5a: {  	_ =	shalt  }
0x5b: {  	_ =	shalt  }
0x5c: {  	_ =	shalt  }
0x5d: {  	_ =	shalt  }
0x5e: {  	_ =	shalt  }
0x5f: {  	_ =	shalt  }
0x60: {  	_ =	shalt  }
0x61: {  	_ =	shalt  }
0x62: {  	_ =	shalt  }
0x63: {  	_ =	shalt  }
0x64: {  	_ =	shalt  }
0x65: {  	_ =	shalt  }
0x66: {  	_ =	shalt  }
0x67: {  	_ =	shalt  }
0x68: {  	_ =	shalt  }
0x69: {  	_ =	shalt  }
0x6a: {  	_ =	shalt  }
0x6b: {  	_ =	shalt  }
0x6c: {  	_ =	shalt  }
0x6d: {  	_ =	shalt  }
0x6e: {  	_ =	shalt  }
0x6f: {  	_ =	shalt  }
0x70: {  	_ =	shalt  }
0x71: {  	_ =	shalt  }
0x72: {  	_ =	shalt  }
0x73: {  	_ =	shalt  }
0x74: {  	_ =	shalt  }
0x75: {  	_ =	shalt  }
0x76: {  	_ =	shalt  }
0x77: {  	_ =	shalt  }
0x78: {  	_ =	shalt  }
0x79: {  	_ =	shalt  }
0x7a: {  	_ =	shalt  }
0x7b: {  	_ =	shalt  }
0x7c: {  	_ =	shalt  }
0x7d: {  	_ =	shalt  }
0x7e: {  	_ =	shalt  }
0x7f: {  	_ =	shalt  }
0x80: {  	_ =	shalt  }
0x81: {  	_ =	shalt  }
0x82: {  	_ =	shalt  }
0x83: {  	_ =	shalt  }
0x84: {  	_ =	shalt  }
0x85: {  	_ =	shalt  }
0x86: {  	_ =	shalt  }
0x87: {  	_ =	shalt  }
.Lfunc_end0:
.L_simem_size_0:
called_computation.2_lowered:
.L_overlay_start_0:
0x88: {  	s2 =	sld [smem:$0x3FD9]  }
0x89: {  	s3 =	sld [smem:$0x3FFE];
	_ =	sdelay $0x1  }
0x8a: {  	s1 =	srdreg.scid  }
0x8b: {  	s0 =	sand.u32 $0x1, s1  }
0x8c: {  	s17 =	sshll.u32 s0, $0xA;
	s2 =	sadd.s32 s3, s2  }
0x8d: {  	s2 =	sadd.s32 s2, s17  }
0x8e: {  	[smem:$0x3FC6] =	sst s2  }
0x8f: {  	_ = 	snop  }
0x90: {  	s2 =	sld [smem:$0x3FC8]  }
0x91: {  	s18 =	sld [smem:$0x3FD0];
	(tm) =	ssettm $0x1  }
0x92: {  	s4 =	sld [smem:$0x3FFB];
	_ =	sdelay $0x3  }
0x93: {  	_ =	strace s4  }
0x94: {  	s4 =	sld [smem:$0x3FFC];
	_ =	sdelay $0x3  }
0x95: {  	_ =	strace s4  }
0x96: {  	s4 =	sld [smem:$0x3FFD];
	_ =	sdelay $0x3  }
0x97: {  	_ =	strace s4  }
0x98: {  	_ =	strace $0x8FFFFFFF  }
0x99: {  	s19 =	sld [smem:$0x3FDB];
	_ =	sdelay $0x1  }
0x9a: {  	s5 =	simm.s32 $_scs_section_size  }
0x9b: {  	s6 =	simm.s32 $_size__tile_overlayer_lowered;
	s7 =	simm.s32 $_tile_overlayer_lowered  }
0x9c: {  	s22 =	simm.s32 $0x1BFF;
	s21 =	sshll.u32 s7, $0x1;
	s4 =	sadd.s32 s5, s19  }
0x9d: {  	s8 =	simm.s32 $0x0;
	s20 =	sshll.u32 s6, $0x1;
	s6 =	sadd.s32 s21, s4  }
0x9e: {  	[timem:s8], [sflag:s22] =	dma.local [hbm:s6], s20  }
0x9f: {  	_ =	swait.ge [sflag:s22], s20  }
0xa0: {  	s5 =	ssub.s32 $0x0, s20;
	[sflag:s22] =	ssyncset.done $0x0  }
0xa1: {  	[sflag:s22] =	ssyncadd.s32 s5;
	_ =	sdelay $0x1  }
0xa2: {  	s23 =	simm.s32 $0x1B8B  }
0xa3: {  	_ =	swait.ge [sflag:s23], $0x1  }
0xa4: {  	[sflag:s23] =	ssyncset.done $0x0  }
0xa5: {  	s25 =	simm.s32 $0x1B8E;
	s24 =	sld [smem:$0x3FFE];
	[sflag:s23] =	ssyncadd.s32 $0xFFFFFFFF  }
0xa6: {  	s26 =	simm.s32 $execute0_lowered;
	[smem:$0x3FD2] =	sst s25  }
0xa7: {  	s6 =	sshll.u32 s26, $0x1;
	_ =	strace $0x80000049;
	[dreg:$0x1] =	wrdreg $0xFFFFFFFF  }
0xa8: {  	s28 =	simm.s32 $_size_execute0_lowered;
	s4 =	sadd.s32 s4, s6;
	[dreg:$0x0] =	wrdreg $0x0  }
0xa9: {  	s6 =	sshll.u32 s28, $0x1;
	[dreg:$0x2] =	wrdreg s4  }
0xaa: {  	[dreg:$0x3] =	wrdreg s6  }
0xab: {  	[dreg:$0x4] =	wrdreg $0xC0  }
0xac: {  	_ =	task [dreg:s8], $0x5FFFF  }
0xad: {  	[dreg:$0x1] =	wrdreg $0xFFFFFFFF  }
0xae: {  	[dreg:$0x0] =	wrdreg $0x60  }
0xaf: {  	[dreg:$0x2] =	wrdreg s18  }
0xb0: {  	[dreg:$0x3] =	wrdreg s2  }
0xb1: {  	[dreg:$0x4] =	wrdreg s24  }
0xb2: {  	[dreg:$0x5] =	wrdreg $0x9  }
0xb3: {  	_ =	task.clear_ibuf [dreg:s8], $0x6FFFF;
	_ =	strace $0x90000049  }
0xb4: {  	s29 =	simm.s32 $0x9;
	_ =	strace $0x8000004B  }
0xb5: {  	_ =	swait.ge [sflag:s29], $0x1  }
0xb6: {  	[sflag:s29] =	ssyncadd.s32 $0xFFFFFFFF  }
0xb7: {  	_ =	strace $0x9000004B  }
0xb8: {  	_ =	sfence  }
0xb9: {  	s30 =	sld [smem:$0x0];
	_ =	sdelay $0x2  }
0xba: {  	s31 =	sshll.u32 s1, $0xD;
	s1 =	sshrl.u32 s1, $0x2  }
0xbb: {  	s3 =	sand.u32 $0x4000, s31;
	s1 =	sadd.s32 s1, s30  }
0xbc: {  	s0 =	sor.u32 s3, s0;
	s1 =	sshll.u32 s1, $0x11  }
0xbd: {  	s0 =	sor.u32 s1, s0  }
0xbe: {  	s0 =	sadd.s32 $0x8F2B, s0  }
0xbf: {  	[sflag:s0] =	ssyncadd.remote.s32 $0x1  }
0xc0: {  	_ =	sfence.sel $0xFFFF  }
0xc1: {  	[dreg:$0x0] =	wrdreg $0xFFFFFFFF;
	(pc) =	sbr.abs _section_cstart, $3  }
0xc2: {  	[dreg:$0x1] =	wrdreg $0xFFFFFFFF  }
0xc3: {  	_ =	task.clear_ibuf [dreg:s8], $0x2FFFF;
	_ =	strace $0x9FFFFFFF  }
0xc4: {  	(tm) =	ssettm $0x7FFFFFFF  }
0xc5: {  	_ =	shalt  }
tec
execute0_lowered:
.L_overlay_start_1:
0x0: {  	(tag) =	ssettag $0x1  }
0x1: {  	s1 =	rddreg [dreg:$0x0]  }
0x2: {  	s3 =	rddreg [dreg:$0x1];
	s2 =	srdreg.scid  }
0x3: {  	s0 =	stileid.u32;
	s6 =	rddreg [dreg:$0x2];
	s4 =	simm.s32 $0x0  }
0x4: {  	s12 =	simm.s32 $0x1;
	s13 =	simm.s32 $0x80;
	s14 =	simm.s32 $0x400  }
0x5: {  	s15 =	simm.s32 $0x18000;
	s5 =	sand.u32 $0x1, s2;
	s7 =	sshll.u32 s0, $0x1  }
0x6: {  	s16 =	simm.s32 $0x0;
	s2 =	rddreg [dreg:$0x3];
	s7 =	sor.u32 s5, s7  }
0x7: {  	[smem:$0x7FF] =	sst s4;
	s8 =	ssub.s32 $0x2, s5;
	s5 =	smul.u32 $0xC0000, s7  }
0x8: {  	s6 =	sadd.s32 $0xC00, s6;
	_ =	strace $0x8000004A;
	s31 =	sshrl.u32 s8, $0x1  }
0x9: {  	s11 =	ssub.s32 s8, s31;
	s7 =	sadd.s32 $0x40000, s5;
	s8 =	sadd.s32 $0x60000, s5  }
0xa: {  	s9 =	sadd.s32 $0x80000, s5;
	s10 =	sadd.s32 $0xA0000, s5;
	s11 =	smax.u32 s11, $0x1  }
.LBB2_1:
0xb: {  	[tilespmem:s4], [sflag:$0x1] =	stream.linear.gather [hbm4b:s3+s4], $0x18000, $0x38;
	[tilespmem:$0x1C000] =	vst v63  }
0xc: {  	_ =	swait.ge [sflag:s12], $0x18000  }
0xd: {  	[sflag:s12] =	ssyncset.done $0x0  }
0xe: {  	s17 =	simm.s32 $0x0;
	[sflag:s12] =	ssyncadd.s32 $0xFFFE8000  }
.LBB2_2:
0xf: {  	s18 =	sshll.u32 s17, $0x7  }
0x10: {  	s19 =	sor.u32 s5, s18  }
0x11: {  	s20 =	sshrl.u32 s19, $0x3  }
0x12: {  	s19 =	sadd.s32 s1, s20  }
0x13: {  	[tilespmem:s15], [sflag:$0x1] =	stream.strided.gather [hbm4b:s19+s13], $0x4000, s14, s13, $0x38;
	[tilespmem:$0x1C000] =	vst v63  }
0x14: {  	_ =	swait.ge [sflag:s12], $0x4000  }
0x15: {  	[sflag:s12] =	ssyncset.done $0x0  }
0x16: {  	s19 =	simm.s32 $0x0;
	[sflag:s12] =	ssyncadd.s32 $0xFFFFC000  }
0x17: {  	s21 =	simm.s32 $0x40;
	v0 =	vld [tilespmem:s19+$0x0]  }
.LBB2_3:
0x18: {  	p0 =	sne.s32 s21, $0xFFC0;
	v1 =	vld [tilespmem:s19+$0x18000];
	_ =	sdelay $0x2  }
.Ltmp0:
0x19: {  	(pc) =	sbr.rel @p0 .LBB2_3-.Ltmp0, $4  }
0x1a: {  	_ = 	snop  }
0x1b: {  	v1 =	vadd.f32 v0, v1  }
0x1c: {  	s22 =	sshra.s32 s21, $0x2  }
0x1d: {  	s21 =	sadd.s32 $0x40, s21;
	v0 =	vld [tilespmem:s22+$0x0];
	[tilespmem:s19+$0x18000] =	vst v1;
	s19 =	smov.u32 s22  }
0x1e: {  	v1 =	vld [tilespmem:s19+$0x18000];
	_ =	sdelay $0x4  }
0x1f: {  	v0 =	vadd.f32 v0, v1;
	_ =	sdelay $0x1  }
0x20: {  	s21 =	sadd.s32 s6, s20;
	[tilespmem:s19+$0x18000] =	vst v0;
	s19 =	simm.s32 $0x18000  }
0x21: {  	[hbm4b:s21+s13] =	stream.strided.scatter [tilespmem:s19], [sflag:$0x1], $0x4000, s14, s13, $0x38;
	[tilespmem:$0x1C000] =	vst v63  }
0x22: {  	_ =	swait.ge [sflag:s12], $0x4000  }
0x23: {  	s20 =	sor.u32 $0x4000, s20;
	[sflag:s12] =	ssyncset.done $0x0  }
0x24: {  	s30 =	sadd.s32 s1, s20;
	[sflag:s12] =	ssyncadd.s32 $0xFFFFC000  }
0x25: {  	[tilespmem:s19], [sflag:$0x1] =	stream.strided.gather [hbm4b:s30+s13], $0x4000, s14, s13, $0x38;
	[tilespmem:$0x1C000] =	vst v63  }
0x26: {  	_ =	swait.ge [sflag:s12], $0x4000  }
0x27: {  	s31 =	simm.s32 $0x0;
	[sflag:s12] =	ssyncset.done $0x0  }
0x28: {  	s21 =	sand.u32 $0x3FF0, s31;
	[sflag:s12] =	ssyncadd.s32 $0xFFFFC000  }
0x29: {  	v0 =	vld [tilespmem:s21+$0x4000];
	s21 =	simm.s32 $0x10  }
.LBB2_5:
0x2a: {  	p0 =	sne.s32 s21, $0x3FF0;
	v1 =	vld [tilespmem:s19+$0x0];
	_ =	sdelay $0x3  }
.Ltmp1:
0x2b: {  	(pc) =	sbr.rel @p0 .LBB2_5-.Ltmp1, $3  }
0x2c: {  	v0 =	vadd.f32 v0, v1;
	_ =	sdelay $0x1  }
0x2d: {  	s22 =	sand.u32 $0x3FF0, s21;
	[tilespmem:s19+$0x0] =	vst v0  }
0x2e: {  	s21 =	sadd.s32 $0x10, s21;
	s19 =	sadd.s32 $0x10, s19;
	v0 =	vld [tilespmem:s22+$0x4000]  }
0x2f: {  	v1 =	vld [tilespmem:s19+$0x0];
	_ =	sdelay $0x4  }
0x30: {  	v0 =	vadd.f32 v0, v1;
	_ =	sdelay $0x1  }
0x31: {  	s20 =	sadd.s32 s6, s20;
	[tilespmem:s19+$0x0] =	vst v0;
	s19 =	simm.s32 $0x18000  }
0x32: {  	[hbm4b:s20+s13] =	stream.strided.scatter [tilespmem:s19], [sflag:$0x1], $0x4000, s14, s13, $0x38;
	[tilespmem:$0x1C000] =	vst v63  }
0x33: {  	s30 =	sadd.s32 s7, s18;
	_ =	swait.ge [sflag:s12], $0x4000  }
0x34: {  	s20 =	sshrl.u32 s30, $0x3;
	[sflag:s12] =	ssyncset.done $0x0  }
0x35: {  	s21 =	sadd.s32 s1, s20;
	[sflag:s12] =	ssyncadd.s32 $0xFFFFC000  }
0x36: {  	[tilespmem:s19], [sflag:$0x1] =	stream.strided.gather [hbm4b:s21+s13], $0x4000, s14, s13, $0x38;
	[tilespmem:$0x1C000] =	vst v63  }
0x37: {  	_ =	swait.ge [sflag:s12], $0x4000  }
0x38: {  	s31 =	simm.s32 $0x0;
	[sflag:s12] =	ssyncset.done $0x0  }
0x39: {  	s21 =	sand.u32 $0x3FF0, s31;
	[sflag:s12] =	ssyncadd.s32 $0xFFFFC000  }
0x3a: {  	v0 =	vld [tilespmem:s21+$0x8000];
	s21 =	simm.s32 $0x10  }
.LBB2_7:
0x3b: {  	p0 =	sne.s32 s21, $0x3FF0;
	v1 =	vld [tilespmem:s19+$0x0];
	_ =	sdelay $0x3  }
.Ltmp2:
0x3c: {  	(pc) =	sbr.rel @p0 .LBB2_7-.Ltmp2, $3  }
0x3d: {  	v0 =	vadd.f32 v0, v1;
	_ =	sdelay $0x1  }
0x3e: {  	s22 =	sand.u32 $0x3FF0, s21;
	[tilespmem:s19+$0x0] =	vst v0  }
0x3f: {  	s21 =	sadd.s32 $0x10, s21;
	s19 =	sadd.s32 $0x10, s19;
	v0 =	vld [tilespmem:s22+$0x8000]  }
0x40: {  	v1 =	vld [tilespmem:s19+$0x0];
	_ =	sdelay $0x4  }
0x41: {  	v0 =	vadd.f32 v0, v1;
	_ =	sdelay $0x1  }
0x42: {  	s20 =	sadd.s32 s6, s20;
	[tilespmem:s19+$0x0] =	vst v0;
	s19 =	simm.s32 $0x18000  }
0x43: {  	[hbm4b:s20+s13] =	stream.strided.scatter [tilespmem:s19], [sflag:$0x1], $0x4000, s14, s13, $0x38;
	[tilespmem:$0x1C000] =	vst v63  }
0x44: {  	s30 =	sadd.s32 s8, s18;
	_ =	swait.ge [sflag:s12], $0x4000  }
0x45: {  	s20 =	sshrl.u32 s30, $0x3;
	[sflag:s12] =	ssyncset.done $0x0  }
0x46: {  	s21 =	sadd.s32 s1, s20;
	[sflag:s12] =	ssyncadd.s32 $0xFFFFC000  }
0x47: {  	[tilespmem:s19], [sflag:$0x1] =	stream.strided.gather [hbm4b:s21+s13], $0x4000, s14, s13, $0x38;
	[tilespmem:$0x1C000] =	vst v63  }
0x48: {  	_ =	swait.ge [sflag:s12], $0x4000  }
0x49: {  	s31 =	simm.s32 $0x0;
	[sflag:s12] =	ssyncset.done $0x0  }
0x4a: {  	s21 =	sand.u32 $0x3FF0, s31;
	[sflag:s12] =	ssyncadd.s32 $0xFFFFC000  }
0x4b: {  	v0 =	vld [tilespmem:s21+$0xC000];
	s21 =	simm.s32 $0x10  }
.LBB2_9:
0x4c: {  	p0 =	sne.s32 s21, $0x3FF0;
	v1 =	vld [tilespmem:s19+$0x0];
	_ =	sdelay $0x3  }
.Ltmp3:
0x4d: {  	(pc) =	sbr.rel @p0 .LBB2_9-.Ltmp3, $3  }
0x4e: {  	v0 =	vadd.f32 v0, v1;
	_ =	sdelay $0x1  }
0x4f: {  	s22 =	sand.u32 $0x3FF0, s21;
	[tilespmem:s19+$0x0] =	vst v0  }
0x50: {  	s21 =	sadd.s32 $0x10, s21;
	s19 =	sadd.s32 $0x10, s19;
	v0 =	vld [tilespmem:s22+$0xC000]  }
0x51: {  	v1 =	vld [tilespmem:s19+$0x0];
	_ =	sdelay $0x4  }
0x52: {  	v0 =	vadd.f32 v0, v1;
	_ =	sdelay $0x1  }
0x53: {  	s20 =	sadd.s32 s6, s20;
	[tilespmem:s19+$0x0] =	vst v0;
	s19 =	simm.s32 $0x18000  }
0x54: {  	[hbm4b:s20+s13] =	stream.strided.scatter [tilespmem:s19], [sflag:$0x1], $0x4000, s14, s13, $0x38;
	[tilespmem:$0x1C000] =	vst v63  }
0x55: {  	s30 =	sadd.s32 s9, s18;
	_ =	swait.ge [sflag:s12], $0x4000  }
0x56: {  	s20 =	sshrl.u32 s30, $0x3;
	[sflag:s12] =	ssyncset.done $0x0  }
0x57: {  	s21 =	sadd.s32 s1, s20;
	[sflag:s12] =	ssyncadd.s32 $0xFFFFC000  }
0x58: {  	[tilespmem:s19], [sflag:$0x1] =	stream.strided.gather [hbm4b:s21+s13], $0x4000, s14, s13, $0x38;
	[tilespmem:$0x1C000] =	vst v63  }
0x59: {  	_ =	swait.ge [sflag:s12], $0x4000  }
0x5a: {  	s31 =	simm.s32 $0x0;
	[sflag:s12] =	ssyncset.done $0x0  }
0x5b: {  	s21 =	sand.u32 $0x3FF0, s31;
	[sflag:s12] =	ssyncadd.s32 $0xFFFFC000  }
0x5c: {  	v0 =	vld [tilespmem:s21+$0x10000];
	s21 =	simm.s32 $0x10  }
.LBB2_11:
0x5d: {  	p0 =	sne.s32 s21, $0x3FF0;
	v1 =	vld [tilespmem:s19+$0x0];
	_ =	sdelay $0x3  }
.Ltmp4:
0x5e: {  	(pc) =	sbr.rel @p0 .LBB2_11-.Ltmp4, $3  }
0x5f: {  	v0 =	vadd.f32 v0, v1;
	_ =	sdelay $0x1  }
0x60: {  	s22 =	sand.u32 $0x3FF0, s21;
	[tilespmem:s19+$0x0] =	vst v0  }
0x61: {  	s21 =	sadd.s32 $0x10, s21;
	s19 =	sadd.s32 $0x10, s19;
	v0 =	vld [tilespmem:s22+$0x10000]  }
0x62: {  	v1 =	vld [tilespmem:s19+$0x0];
	_ =	sdelay $0x4  }
0x63: {  	v0 =	vadd.f32 v0, v1;
	_ =	sdelay $0x1  }
0x64: {  	s20 =	sadd.s32 s6, s20;
	[tilespmem:s19+$0x0] =	vst v0;
	s19 =	simm.s32 $0x18000  }
0x65: {  	[hbm4b:s20+s13] =	stream.strided.scatter [tilespmem:s19], [sflag:$0x1], $0x4000, s14, s13, $0x38;
	[tilespmem:$0x1C000] =	vst v63  }
0x66: {  	s18 =	sadd.s32 s10, s18;
	_ =	swait.ge [sflag:s12], $0x4000  }
0x67: {  	s18 =	sshrl.u32 s18, $0x3;
	[sflag:s12] =	ssyncset.done $0x0  }
0x68: {  	s30 =	sadd.s32 s1, s18;
	[sflag:s12] =	ssyncadd.s32 $0xFFFFC000  }
0x69: {  	[tilespmem:s19], [sflag:$0x1] =	stream.strided.gather [hbm4b:s30+s13], $0x4000, s14, s13, $0x38;
	[tilespmem:$0x1C000] =	vst v63  }
0x6a: {  	_ =	swait.ge [sflag:s12], $0x4000  }
0x6b: {  	s31 =	simm.s32 $0x0;
	[sflag:s12] =	ssyncset.done $0x0  }
0x6c: {  	s20 =	sand.u32 $0x3FF0, s31;
	[sflag:s12] =	ssyncadd.s32 $0xFFFFC000  }
0x6d: {  	v0 =	vld [tilespmem:s20+$0x14000];
	s20 =	simm.s32 $0x10  }
.LBB2_13:
0x6e: {  	p0 =	sne.s32 s20, $0x3FF0;
	v1 =	vld [tilespmem:s19+$0x0];
	_ =	sdelay $0x3  }
.Ltmp5:
0x6f: {  	(pc) =	sbr.rel @p0 .LBB2_13-.Ltmp5, $3  }
0x70: {  	v0 =	vadd.f32 v0, v1;
	_ =	sdelay $0x1  }
0x71: {  	s21 =	sand.u32 $0x3FF0, s20;
	[tilespmem:s19+$0x0] =	vst v0  }
0x72: {  	s20 =	sadd.s32 $0x10, s20;
	s19 =	sadd.s32 $0x10, s19;
	v0 =	vld [tilespmem:s21+$0x14000]  }
0x73: {  	v1 =	vld [tilespmem:s19+$0x0];
	_ =	sdelay $0x4  }
0x74: {  	s17 =	sadd.s32 $0x1, s17;
	v0 =	vadd.f32 v0, v1  }
0x75: {  	p0 =	sne.s32 s17, $0x8  }
.Ltmp6:
0x76: {  	s18 =	sadd.s32 s6, s18;
	[tilespmem:s19+$0x0] =	vst v0;
	(pc) =	sbr.rel @p0 .LBB2_2-.Ltmp6, $4  }
0x77: {  	[hbm4b:s18+s13] =	stream.strided.scatter [tilespmem:s15], [sflag:$0x1], $0x4000, s14, s13, $0x38;
	[tilespmem:$0x1C000] =	vst v63  }
0x78: {  	_ =	swait.ge [sflag:s12], $0x4000  }
0x79: {  	[sflag:s12] =	ssyncset.done $0x0  }
0x7a: {  	[sflag:s12] =	ssyncadd.s32 $0xFFFFC000  }
0x7b: {  	s16 =	sadd.s32 $0x1, s16  }
0x7c: {  	p0 =	sne.s32 s16, s11  }
.Ltmp7:
0x7d: {  	_ = 	snop;
	(pc) =	sbr.rel @p0 .LBB2_1-.Ltmp7, $1  }
0x7e: {  	_ =	sdelay $0x3  }
0x7f: {  	_ =	sfence.sel $0x180000  }
0x80: {  	[bflag:$0x0] =	sbarrier.arrive $0xFFFF  }
0x81: {  	p0 =	sne.s32 s0, $0x0;
	_ =	strace $0x9000004A  }
0x82: {  	s0 =	sadd.s32 @!p0 $0x100000, s2;
	[bflag:$0x2] =	sbarrier.arrive $0xFFFF  }
0x83: {  	[sflag:s0] =	ssyncadd.tile.s32 @!p0 $0x1;
	_ =	shalt  }
.Lfunc_end2:
_tile_overlayer_lowered:
.L_overlay_start_2:
0x84: {  	(tag) =	ssettag $0x2  }
0x85: {  	s0 =	rddreg [dreg:$0x0];
	s2 =	stileid.u32  }
0x86: {  	s1 =	rddreg [dreg:$0x1];
	p0 =	sne.s32 s2, $0x0  }
0x87: {  	s3 =	rddreg [dreg:$0x2];
	[bflag:$0x3] =	sbarrier.arrive $0xFFFF;
	s2 =	simm.s32 @!p0 $0x1C01  }
0x88: {  	[timem:s3], [sflag:s2] =	dma.local @!p0 [hbm:s0], s1  }
0x89: {  	s0 =	simm.s32 @!p0 $0x1  }
0x8a: {  	_ =	swait.ge @!p0 [sflag:s0], s1  }
0x8b: {  	s1 =	ssub.s32 @!p0 $0x0, s1;
	[sflag:s0] =	ssyncset.done @!p0 $0x0  }
0x8c: {  	[sflag:s0] =	ssyncadd.s32 @!p0 s1  }
0x8d: {  	[bflag:$0x3] =	sbarrier.arrive $0xFFFF  }
0x8e: {  	_ =	shalt  }

// kernel: sparse-core-data-format-call.1.cloned.1.call-start
scs
called_computation.1_lowered:
.L_overlay_start_0:
0x0: {  	s2 =	sld [smem:$0x3FD9]  }
0x1: {  	s3 =	sld [smem:$0x3FFE];
	_ =	sdelay $0x1  }
0x2: {  	s1 =	srdreg.scid  }
0x3: {  	s0 =	sand.u32 $0x1, s1  }
0x4: {  	s19 =	sshll.u32 s0, $0xA;
	s2 =	sadd.s32 s3, s2  }
0x5: {  	s2 =	sadd.s32 s2, s19  }
0x6: {  	[smem:$0x3FC6] =	sst s2  }
0x7: {  	_ = 	snop  }
0x8: {  	s2 =	sld [smem:$0x3FC9]  }
0x9: {  	s20 =	sld [smem:$0x3FD0];
	(tm) =	ssettm $0x1  }
0xa: {  	s4 =	sld [smem:$0x3FFB];
	_ =	sdelay $0x3  }
0xb: {  	_ =	strace s4  }
0xc: {  	s4 =	sld [smem:$0x3FFC];
	_ =	sdelay $0x3  }
0xd: {  	_ =	strace s4  }
0xe: {  	s4 =	sld [smem:$0x3FFD];
	_ =	sdelay $0x3  }
0xf: {  	_ =	strace s4  }
0x10: {  	_ =	strace $0x8FFFFFFF  }
0x11: {  	s21 =	sld [smem:$0x3FDB];
	_ =	sdelay $0x1  }
0x12: {  	s5 =	simm.s32 $_scs_section_size  }
0x13: {  	s6 =	simm.s32 $_size__tile_overlayer_lowered;
	s7 =	simm.s32 $_tile_overlayer_lowered  }
0x14: {  	s24 =	simm.s32 $0x1BFF;
	s23 =	sshll.u32 s7, $0x1;
	s4 =	sadd.s32 s5, s21  }
0x15: {  	s8 =	simm.s32 $0x0;
	s22 =	sshll.u32 s6, $0x1;
	s6 =	sadd.s32 s23, s4  }
0x16: {  	[timem:s8], [sflag:s24] =	dma.local [hbm:s6], s22  }
0x17: {  	_ =	swait.ge [sflag:s24], s22  }
0x18: {  	s5 =	ssub.s32 $0x0, s22;
	[sflag:s24] =	ssyncset.done $0x0  }
0x19: {  	[sflag:s24] =	ssyncadd.s32 s5;
	_ =	sdelay $0x1  }
0x1a: {  	s25 =	simm.s32 $0x1B8B  }
0x1b: {  	_ =	swait.ge [sflag:s25], $0x1  }
0x1c: {  	[sflag:s25] =	ssyncset.done $0x0  }
0x1d: {  	s26 =	simm.s32 $0x1B8E;
	[sflag:s25] =	ssyncadd.s32 $0xFFFFFFFF  }
0x1e: {  	s27 =	simm.s32 $execute0_lowered;
	[smem:$0x3FD2] =	sst s26  }
0x1f: {  	s5 =	sshll.u32 s27, $0x1;
	_ =	strace $0x80000046;
	[dreg:$0x1] =	wrdreg $0xFFFFFFFF  }
0x20: {  	s28 =	simm.s32 $_size_execute0_lowered;
	s4 =	sadd.s32 s4, s5;
	[dreg:$0x0] =	wrdreg $0x0  }
0x21: {  	s5 =	sshll.u32 s28, $0x1;
	[dreg:$0x2] =	wrdreg s4  }
0x22: {  	[dreg:$0x3] =	wrdreg s5  }
0x23: {  	[dreg:$0x4] =	wrdreg $0xC0  }
0x24: {  	_ =	task [dreg:s8], $0x5FFFF  }
0x25: {  	[dreg:$0x1] =	wrdreg $0xFFFFFFFF  }
0x26: {  	[dreg:$0x0] =	wrdreg $0x60  }
0x27: {  	[dreg:$0x2] =	wrdreg s2  }
0x28: {  	[dreg:$0x3] =	wrdreg s20  }
0x29: {  	[dreg:$0x4] =	wrdreg $0x9  }
0x2a: {  	_ =	task.clear_ibuf [dreg:s8], $0x5FFFF;
	_ =	strace $0x90000046  }
0x2b: {  	s29 =	simm.s32 $0x9;
	_ =	strace $0x80000048  }
0x2c: {  	_ =	swait.ge [sflag:s29], $0x1  }
0x2d: {  	[sflag:s29] =	ssyncadd.s32 $0xFFFFFFFF  }
0x2e: {  	_ =	strace $0x90000048  }
0x2f: {  	_ =	sfence  }
0x30: {  	s30 =	sld [smem:$0x0];
	_ =	sdelay $0x2  }
0x31: {  	s31 =	sshll.u32 s1, $0xD;
	s1 =	sshrl.u32 s1, $0x2  }
0x32: {  	s3 =	sand.u32 $0x4000, s31;
	s1 =	sadd.s32 s1, s30  }
0x33: {  	s0 =	sor.u32 s3, s0;
	s1 =	sshll.u32 s1, $0x11  }
0x34: {  	s0 =	sor.u32 s1, s0  }
0x35: {  	s0 =	sadd.s32 $0x8F2B, s0  }
0x36: {  	[sflag:s0] =	ssyncadd.remote.s32 $0x1  }
0x37: {  	_ =	sfence.sel $0xFFFF  }
0x38: {  	[dreg:$0x0] =	wrdreg $0xFFFFFFFF;
	(pc) =	sbr.abs _section_cstart, $3  }
0x39: {  	[dreg:$0x1] =	wrdreg $0xFFFFFFFF  }
0x3a: {  	_ =	task.clear_ibuf [dreg:s8], $0x2FFFF;
	_ =	strace $0x9FFFFFFF  }
0x3b: {  	(tm) =	ssettm $0x7FFFFFFF  }
tec
execute0_lowered:
.L_overlay_start_1:
0x0: {  	(tag) =	ssettag $0x1  }
0x1: {  	s2 =	rddreg [dreg:$0x0]  }
0x2: {  	s3 =	rddreg [dreg:$0x1]  }
0x3: {  	s0 =	rddreg [dreg:$0x2]  }
0x4: {  	_ =	strace $0x80000047;
	s4 =	srdreg.scid;
	s1 =	stileid.u32  }
0x5: {  	s6 =	simm.s32 $0x2;
	s12 =	simm.s32 $0x0;
	p0 =	por $0x0, $0x0  }
.Ltmp0:
0x6: {  	s7 =	simm.s32 $0x400;
	s13 =	simm.s32 $0x0;
	(pc) =	sbr.rel .LBB1_1-.Ltmp0, $4  }
0x7: {  	s14 =	simm.s32 $0x0;
	s9 =	simm.s32 $0x0;
	s5 =	sshll.u32 s4, $0x4  }
0x8: {  	s10 =	simm.s32 $0x0;
	s4 =	simm.s32 $0x1;
	s5 =	sand.u32 $0x10, s5  }
0x9: {  	s8 =	simm.s32 $0x0;
	[sflag:s4] =	ssyncpa.u1 $0x0;
	s5 =	sor.u32 s1, s5  }
0xa: {  	[sflag:s6] =	ssyncpa.u1 $0x0;
	s6 =	simm.s32 $0x80;
	s11 =	smov.u32 s5  }
.LBB1_5:
0xb: {  	s15 =	sadd.s32 $0x80, s9  }
0xc: {  	s12 =	simm.s32 $0x1;
	p2 =	sgt.s32 s15, $0x2FF  }
0xd: {  	s12 =	simm.s32 @!p2 $0x0  }
0xe: {  	s16 =	sadd.s32 s12, s10  }
0xf: {  	s18 =	smov.u32 s11;
	s12 =	sadd.s32 $0x20, s11;
	p3 =	sgt.s32 s16, $0x7  }
0x10: {  	p1 =	slt.u32 s8, $0x2;
	s18 =	smov.u32 @p3 s12  }
0x11: {  	s8 =	sadd.s32 $0x1, s8;
	s15 =	simm.s32 @p2 $0x0;
	p2 =	sgt.s32 s18, $0x1F  }
0x12: {  	s18 =	smov.u32 @p2 s5;
	p2 =	sne.s32 s8, $0x32  }
.Ltmp1:
0x13: {  	s17 =	simm.s32 @!p1 $0x2;
	(pc) =	sbr.rel @!p2 .LBB1_6-.Ltmp1, $4  }
0x14: {  	s13 =	smov.u32 s10;
	_ =	swait.ge @!p1 [sflag:s17], $0x4000  }
0x15: {  	s14 =	smov.u32 s11;
	p0 =	por !p0, !p0;
	[sflag:s17] =	ssyncset.done @!p1 $0x0  }
0x16: {  	[sflag:s17] =	ssyncadd.s32 @!p1 $0xFFFFC000;
	s16 =	simm.s32 @p3 $0x0;
	s12 =	smov.u32 s9  }
0x17: {  	s9 =	smov.u32 s15;
	s10 =	smov.u32 s16;
	s11 =	smov.u32 s18  }
.LBB1_1:
0x18: {  	p1 =	sgt.u32 s8, $0x2F  }
0x19: {  	s15 =	sand.u32 @!p1 $0x1FFFFFF, s9  }
0x1a: {  	s16 =	smulhi.u32 @!p1 $0xAAAAAB, s15;
	_ =	sdelay $0x1  }
0x1b: {  	s17 =	smul.u32 @!p1 $0x18000, s11;
	s16 =	sshrl.u32 @!p1 s16, $0x1  }
0x1c: {  	s16 =	smul.u32 @!p1 $0x300, s16  }
0x1d: {  	s18 =	smul.u32 @!p1 $0x3000, s10  }
0x1e: {  	s17 =	sadd.s32 @!p1 s2, s17;
	s15 =	ssub.s32 @!p1 s15, s16;
	s16 =	sxor.u32 @!p1 $0xFFFFFFFF, s8  }
0x1f: {  	s17 =	sadd.s32 @!p1 s18, s17;
	s16 =	sshll.u32 @!p1 s16, $0xE;
	s15 =	sshll.u32 @!p1 s15, $0x4  }
0x20: {  	s16 =	sand.u32 @!p1 $0x4000, s16;
	s15 =	sadd.s32 @!p1 s15, s17;
	s17 =	simm.s32 @!p1 $0x0  }
0x21: {  	[tilespmem:s16], [sflag:$0x1] =	stream.linear.gather @!p1 [hbm4b:s15+s17], $0x4000, $0x38;
	[tilespmem:$0x10000] =	vst v63  }
0x22: {  	p1 =	seq.s32 s8, $0x0  }
0x23: {  	p2 =	seq.s32 @!p1 s8, $0x31  }
0x24: {  	p1 =	por p1, p2  }
.Ltmp2:
0x25: {  	_ = 	snop;
	(pc) =	sbr.rel @p1 .LBB1_5-.Ltmp2, $1  }
0x26: {  	_ =	sdelay $0x3  }
0x27: {  	s15 =	simm.s32 $0x1  }
0x28: {  	s15 =	simm.s32 @!p0 $0x0  }
0x29: {  	s15 =	sshll.u32 s15, $0xE  }
0x2a: {  	s16 =	sor.u32 $0x40, s15  }
0x2b: {  	v1 =	vmov s16;
	_ =	sdelay $0x1  }
0x2c: {  	_ =	swait.ge [sflag:s4], $0x4000  }
0x2d: {  	[sflag:s4] =	ssyncset.done $0x0  }
0x2e: {  	[sflag:s4] =	ssyncadd.s32 $0xFFFFC000;
	s16 =	simm.s32 $0x0  }
0x2f: {  	s15 =	sor.u32 $0x8070, s15;
	v7 =	vld.idx.msk [tilespmem:v1+s16+$0x30 ss:$0x1], $0xffff  }
0x30: {  	v0 =	vmov s15;
	v8 =	vld.idx.msk [tilespmem:v1+s16+$0xFFFFFFC0 ss:$0x1], $0xffff  }
0x31: {  	v6 =	vld.idx.msk [tilespmem:v1+s16+$0xFFFFFFD0 ss:$0x1], $0xffff  }
0x32: {  	v4 =	vld.idx.msk [tilespmem:v1+s16+$0xFFFFFFE0 ss:$0x1], $0xffff  }
0x33: {  	v2 =	vld.idx.msk [tilespmem:v1+s16+$0xFFFFFFF0 ss:$0x1], $0xffff  }
0x34: {  	s31 =	sshll.u32 s8, $0xE;
	v3 =	vld.idx.msk [tilespmem:v1+s16+$0x0 ss:$0x1], $0xffff  }
0x35: {  	s15 =	sand.u32 $0x4000, s31;
	v5 =	vld.idx.msk [tilespmem:v1+s16+$0x10 ss:$0x1], $0xffff;
	[tilespmem:v0+s16+$0x0 ss:$0x1] =	vst.idx.msk $0xffff, v7  }
0x36: {  	s17 =	simm.s32 $0x80;
	s18 =	simm.s32 $0x400;
	s15 =	sor.u32 $0x8000, s15;
	[tilespmem:v0+s16+$0xFFFFFF90 ss:$0x1] =	vst.idx.msk $0xffff, v8;
	v7 =	vld.idx.msk [tilespmem:v1+s16+$0x20 ss:$0x1], $0xffff  }
.LBB1_3:
0x37: {  	p1 =	sne.s32 s18, $0xFE00;
	v8 =	vld.idx.msk [tilespmem:v1+s17+$0x30 ss:$0x1], $0xffff;
	[tilespmem:v0+s16+$0xFFFFFFA0 ss:$0x1] =	vst.idx.msk $0xffff, v6  }
0x38: {  	v9 =	vld.idx.msk [tilespmem:v1+s17+$0xFFFFFFC0 ss:$0x1], $0xffff;
	[tilespmem:v0+s16+$0xFFFFFFB0 ss:$0x1] =	vst.idx.msk $0xffff, v4  }
0x39: {  	v6 =	vld.idx.msk [tilespmem:v1+s17+$0xFFFFFFD0 ss:$0x1], $0xffff;
	[tilespmem:v0+s16+$0xFFFFFFC0 ss:$0x1] =	vst.idx.msk $0xffff, v2  }
.Ltmp3:
0x3a: {  	v4 =	vld.idx.msk [tilespmem:v1+s17+$0xFFFFFFE0 ss:$0x1], $0xffff;
	[tilespmem:v0+s16+$0xFFFFFFD0 ss:$0x1] =	vst.idx.msk $0xffff, v3;
	(pc) =	sbr.rel @p1 .LBB1_3-.Ltmp3, $4  }
0x3b: {  	v2 =	vld.idx.msk [tilespmem:v1+s17+$0xFFFFFFF0 ss:$0x1], $0xffff;
	[tilespmem:v0+s16+$0xFFFFFFE0 ss:$0x1] =	vst.idx.msk $0xffff, v5  }
0x3c: {  	v3 =	vld.idx.msk [tilespmem:v1+s17+$0x0 ss:$0x1], $0xffff;
	[tilespmem:v0+s16+$0xFFFFFFF0 ss:$0x1] =	vst.idx.msk $0xffff, v7;
	s16 =	smov.u32 s17  }
0x3d: {  	v5 =	vld.idx.msk [tilespmem:v1+s16+$0x10 ss:$0x1], $0xffff;
	[tilespmem:v0+s16+$0x0 ss:$0x1] =	vst.idx.msk $0xffff, v8  }
0x3e: {  	s17 =	sshra.s32 s18, $0x2;
	s18 =	sadd.s32 $0x200, s18;
	[tilespmem:v0+s16+$0xFFFFFF90 ss:$0x1] =	vst.idx.msk $0xffff, v9;
	v7 =	vld.idx.msk [tilespmem:v1+s16+$0x20 ss:$0x1], $0xffff  }
0x3f: {  	_ =	sdelay $0x3  }
0x40: {  	[tilespmem:v0+s16+$0xFFFFFFA0 ss:$0x1] =	vst.idx.msk $0xffff, v6  }
0x41: {  	v56 =	vld.idx.msk [tilespmem:v1+s17+$0x30 ss:$0x1], $0xffff;
	[tilespmem:v0+s16+$0xFFFFFFB0 ss:$0x1] =	vst.idx.msk $0xffff, v4  }
0x42: {  	v57 =	vld.idx.msk [tilespmem:v1+s17+$0xFFFFFFC0 ss:$0x1], $0xffff;
	[tilespmem:v0+s16+$0xFFFFFFC0 ss:$0x1] =	vst.idx.msk $0xffff, v2  }
0x43: {  	v58 =	vld.idx.msk [tilespmem:v1+s17+$0xFFFFFFD0 ss:$0x1], $0xffff;
	[tilespmem:v0+s16+$0xFFFFFFD0 ss:$0x1] =	vst.idx.msk $0xffff, v3  }
0x44: {  	v59 =	vld.idx.msk [tilespmem:v1+s17+$0xFFFFFFE0 ss:$0x1], $0xffff;
	[tilespmem:v0+s16+$0xFFFFFFE0 ss:$0x1] =	vst.idx.msk $0xffff, v5  }
0x45: {  	v60 =	vld.idx.msk [tilespmem:v1+s17+$0xFFFFFFF0 ss:$0x1], $0xffff;
	[tilespmem:v0+s16+$0xFFFFFFF0 ss:$0x1] =	vst.idx.msk $0xffff, v7  }
0x46: {  	v61 =	vld.idx.msk [tilespmem:v1+s17+$0x0 ss:$0x1], $0xffff;
	[tilespmem:v0+s17+$0x0 ss:$0x1] =	vst.idx.msk $0xffff, v56  }
0x47: {  	v62 =	vld.idx.msk [tilespmem:v1+s17+$0x10 ss:$0x1], $0xffff;
	[tilespmem:v0+s17+$0xFFFFFF90 ss:$0x1] =	vst.idx.msk $0xffff, v57  }
0x48: {  	v63 =	vld.idx.msk [tilespmem:v1+s17+$0x20 ss:$0x1], $0xffff;
	[tilespmem:v0+s17+$0xFFFFFFA0 ss:$0x1] =	vst.idx.msk $0xffff, v58  }
0x49: {  	s14 =	smul.u32 $0x18000, s14;
	[tilespmem:v0+s17+$0xFFFFFFB0 ss:$0x1] =	vst.idx.msk $0xffff, v59  }
.Ltmp4:
0x4a: {  	[tilespmem:v0+s17+$0xFFFFFFC0 ss:$0x1] =	vst.idx.msk $0xffff, v60;
	(pc) =	sbr.rel .LBB1_5-.Ltmp4, $4  }
0x4b: {  	s12 =	sshll.u32 s12, $0x7;
	s13 =	sshll.u32 s13, $0x4;
	s14 =	sadd.s32 s3, s14;
	[tilespmem:v0+s17+$0xFFFFFFD0 ss:$0x1] =	vst.idx.msk $0xffff, v61  }
0x4c: {  	s13 =	sand.u32 $0x70, s13;
	s12 =	sadd.s32 s12, s14;
	[tilespmem:v0+s17+$0xFFFFFFE0 ss:$0x1] =	vst.idx.msk $0xffff, v62  }
0x4d: {  	s12 =	sadd.s32 s13, s12;
	[tilespmem:v0+s17+$0xFFFFFFF0 ss:$0x1] =	vst.idx.msk $0xffff, v63  }
0x4e: {  	[hbm4b:s12+s6] =	stream.strided.scatter [tilespmem:s15], [sflag:$0x2], $0x4000, s7, s6, $0x38;
	[tilespmem:$0x10000] =	vst v63  }
.LBB1_6:
0x4f: {  	_ =	sfence.sel $0x180000  }
0x50: {  	s2 =	simm.s32 $0x1;
	[bflag:$0x0] =	sbarrier.arrive $0xFFFF  }
0x51: {  	s31 =	simm.s32 $0x2;
	[sflag:s2] =	ssyncpa.u1 $0x1  }
0x52: {  	[sflag:s31] =	ssyncpa.u1 $0x1  }
0x53: {  	p0 =	sne.s32 s1, $0x0;
	_ =	strace $0x90000047  }
0x54: {  	s0 =	sadd.s32 @!p0 $0x100000, s0;
	[bflag:$0x2] =	sbarrier.arrive $0xFFFF  }
0x55: {  	[sflag:s0] =	ssyncadd.tile.s32 @!p0 $0x1;
	_ =	shalt  }
.Lfunc_end1:
_tile_overlayer_lowered:
.L_overlay_start_2:
0x56: {  	(tag) =	ssettag $0x2  }
0x57: {  	s0 =	rddreg [dreg:$0x0];
	s2 =	stileid.u32  }
0x58: {  	s1 =	rddreg [dreg:$0x1];
	p0 =	sne.s32 s2, $0x0  }
0x59: {  	s3 =	rddreg [dreg:$0x2];
	[bflag:$0x3] =	sbarrier.arrive $0xFFFF;
	s2 =	simm.s32 @!p0 $0x1C01  }
0x5a: {  	[timem:s3], [sflag:s2] =	dma.local @!p0 [hbm:s0], s1  }
0x5b: {  	s0 =	simm.s32 @!p0 $0x1  }
0x5c: {  	_ =	swait.ge @!p0 [sflag:s0], s1  }
0x5d: {  	s1 =	ssub.s32 @!p0 $0x0, s1;
	[sflag:s0] =	ssyncset.done @!p0 $0x0  }
0x5e: {  	[sflag:s0] =	ssyncadd.s32 @!p0 s1  }
0x5f: {  	[bflag:$0x3] =	sbarrier.arrive $0xFFFF  }
0x60: {  	_ =	shalt  }

// kernel: sparse-core-data-format-call.cloned.1.call-start
scs
called_computation_lowered:
.L_overlay_start_0:
0x0: {  	s2 =	sld [smem:$0x3FD9]  }
0x1: {  	s3 =	sld [smem:$0x3FFE];
	_ =	sdelay $0x1  }
0x2: {  	s1 =	srdreg.scid  }
0x3: {  	s0 =	sand.u32 $0x1, s1  }
0x4: {  	s18 =	sshll.u32 s0, $0xA;
	s2 =	sadd.s32 s3, s2  }
0x5: {  	s2 =	sadd.s32 s2, s18  }
0x6: {  	[smem:$0x3FC6] =	sst s2  }
0x7: {  	_ = 	snop  }
0x8: {  	s2 =	sld [smem:$0x3FD0];
	(tm) =	ssettm $0x1  }
0x9: {  	s19 =	sld [smem:$0x3FFB];
	_ =	sdelay $0x3  }
0xa: {  	_ =	strace s19  }
0xb: {  	s3 =	sld [smem:$0x3FFC];
	_ =	sdelay $0x3  }
0xc: {  	_ =	strace s3  }
0xd: {  	s3 =	sld [smem:$0x3FFD];
	_ =	sdelay $0x3  }
0xe: {  	_ =	strace s3  }
0xf: {  	_ =	strace $0x8FFFFFFF  }
0x10: {  	s20 =	sld [smem:$0x3FDB];
	_ =	sdelay $0x1  }
0x11: {  	s4 =	simm.s32 $_scs_section_size  }
0x12: {  	s5 =	simm.s32 $_size__tile_overlayer_lowered;
	s6 =	simm.s32 $_tile_overlayer_lowered  }
0x13: {  	s23 =	simm.s32 $0x1BFF;
	s22 =	sshll.u32 s6, $0x1;
	s3 =	sadd.s32 s4, s20  }
0x14: {  	s7 =	simm.s32 $0x0;
	s21 =	sshll.u32 s5, $0x1;
	s5 =	sadd.s32 s22, s3  }
0x15: {  	[timem:s7], [sflag:s23] =	dma.local [hbm:s5], s21  }
0x16: {  	_ =	swait.ge [sflag:s23], s21  }
0x17: {  	s4 =	ssub.s32 $0x0, s21;
	[sflag:s23] =	ssyncset.done $0x0  }
0x18: {  	[sflag:s23] =	ssyncadd.s32 s4;
	_ =	sdelay $0x1  }
0x19: {  	s24 =	simm.s32 $0x1B8B  }
0x1a: {  	_ =	swait.ge [sflag:s24], $0x1  }
0x1b: {  	[sflag:s24] =	ssyncset.done $0x0  }
0x1c: {  	s26 =	simm.s32 $0x1B8E;
	s25 =	sld [smem:$0x3FFE];
	[sflag:s24] =	ssyncadd.s32 $0xFFFFFFFF  }
0x1d: {  	s27 =	simm.s32 $execute0_lowered;
	[smem:$0x3FD2] =	sst s26  }
0x1e: {  	s5 =	sshll.u32 s27, $0x1;
	_ =	strace $0x8000004C;
	[dreg:$0x1] =	wrdreg $0xFFFFFFFF  }
0x1f: {  	s28 =	simm.s32 $_size_execute0_lowered;
	s3 =	sadd.s32 s3, s5;
	[dreg:$0x0] =	wrdreg $0x0  }
0x20: {  	s5 =	sshll.u32 s28, $0x1;
	[dreg:$0x2] =	wrdreg s3  }
0x21: {  	[dreg:$0x3] =	wrdreg s5  }
0x22: {  	[dreg:$0x4] =	wrdreg $0xC0  }
0x23: {  	_ =	task [dreg:s7], $0x5FFFF  }
0x24: {  	[dreg:$0x1] =	wrdreg $0xFFFFFFFF  }
0x25: {  	[dreg:$0x0] =	wrdreg $0x60  }
0x26: {  	[dreg:$0x2] =	wrdreg s25  }
0x27: {  	[dreg:$0x3] =	wrdreg s2  }
0x28: {  	[dreg:$0x4] =	wrdreg $0x9  }
0x29: {  	_ =	task.clear_ibuf [dreg:s7], $0x5FFFF;
	_ =	strace $0x9000004C  }
0x2a: {  	s29 =	simm.s32 $0x9;
	_ =	strace $0x8000004E  }
0x2b: {  	_ =	swait.ge [sflag:s29], $0x1  }
0x2c: {  	[sflag:s29] =	ssyncadd.s32 $0xFFFFFFFF  }
0x2d: {  	_ =	strace $0x9000004E  }
0x2e: {  	_ =	sfence  }
0x2f: {  	s30 =	sld [smem:$0x0];
	_ =	sdelay $0x2  }
0x30: {  	s31 =	sshll.u32 s1, $0xD;
	s1 =	sshrl.u32 s1, $0x2  }
0x31: {  	s3 =	sand.u32 $0x4000, s31;
	s1 =	sadd.s32 s1, s30  }
0x32: {  	s0 =	sor.u32 s3, s0;
	s1 =	sshll.u32 s1, $0x11  }
0x33: {  	s0 =	sor.u32 s1, s0  }
0x34: {  	s0 =	sadd.s32 $0x8F2B, s0  }
0x35: {  	[sflag:s0] =	ssyncadd.remote.s32 $0x1  }
0x36: {  	_ =	sfence.sel $0xFFFF  }
0x37: {  	[dreg:$0x0] =	wrdreg $0xFFFFFFFF;
	(pc) =	sbr.abs _section_cstart, $3  }
0x38: {  	[dreg:$0x1] =	wrdreg $0xFFFFFFFF  }
0x39: {  	_ =	task.clear_ibuf [dreg:s7], $0x2FFFF;
	_ =	strace $0x9FFFFFFF  }
0x3a: {  	(tm) =	ssettm $0x7FFFFFFF  }
0x3b: {  	_ =	shalt  }
tec
execute0_lowered:
.L_overlay_start_1:
0x0: {  	(tag) =	ssettag $0x1  }
0x1: {  	s1 =	rddreg [dreg:$0x0]  }
0x2: {  	s2 =	rddreg [dreg:$0x1]  }
0x3: {  	s0 =	rddreg [dreg:$0x2];
	_ =	strace $0x8000004D;
	s4 =	srdreg.scid  }
0x4: {  	s6 =	simm.s32 $0x2;
	s11 =	simm.s32 $0x0;
	p0 =	por $0x0, $0x0  }
.Ltmp0:
0x5: {  	s7 =	simm.s32 $0x18000;
	s12 =	simm.s32 $0x0;
	(pc) =	sbr.rel .LBB1_1-.Ltmp0, $4  }
0x6: {  	s9 =	simm.s32 $0x0;
	s3 =	sadd.s32 $0xC00, s1;
	s5 =	sshll.u32 s4, $0x4  }
0x7: {  	s1 =	stileid.u32;
	s4 =	simm.s32 $0x1;
	s5 =	sand.u32 $0x10, s5  }
0x8: {  	s8 =	simm.s32 $0x0;
	[sflag:s4] =	ssyncpa.u1 $0x0;
	s5 =	sor.u32 s1, s5  }
0x9: {  	[sflag:s6] =	ssyncpa.u1 $0x0;
	s6 =	simm.s32 $0x800;
	s10 =	smov.u32 s5  }
.LBB1_7:
0xa: {  	s13 =	sadd.s32 $0x10, s9  }
0xb: {  	s11 =	sadd.s32 $0x20, s10;
	s15 =	smov.u32 s10;
	p2 =	sgt.s32 s13, $0x2FF  }
0xc: {  	p1 =	slt.u32 s8, $0x2;
	s15 =	smov.u32 @p2 s11  }
0xd: {  	s8 =	sadd.s32 $0x1, s8;
	s13 =	simm.s32 @p2 $0x0;
	p2 =	sgt.s32 s15, $0x1F  }
0xe: {  	s15 =	smov.u32 @p2 s5;
	p2 =	sne.s32 s8, $0x32  }
.Ltmp1:
0xf: {  	_ = 	snop;
	(pc) =	sbr.rel @!p2 .LBB1_8-.Ltmp1, $4  }
0x10: {  	s14 =	simm.s32 @!p1 $0x2  }
0x11: {  	s12 =	smov.u32 s10;
	_ =	swait.ge @!p1 [sflag:s14], $0x4000  }
0x12: {  	p0 =	por !p0, !p0;
	s11 =	smov.u32 s9;
	[sflag:s14] =	ssyncset.done @!p1 $0x0  }
0x13: {  	s9 =	smov.u32 s13;
	[sflag:s14] =	ssyncadd.s32 @!p1 $0xFFFFC000;
	s10 =	smov.u32 s15  }
.LBB1_1:
0x14: {  	p1 =	sgt.u32 s8, $0x2F  }
0x15: {  	s13 =	smul.u32 @!p1 $0x18000, s10  }
0x16: {  	s14 =	sxor.u32 @!p1 $0xFFFFFFFF, s8  }
0x17: {  	s15 =	sshll.u32 @!p1 s9, $0x7;
	s14 =	sshll.u32 @!p1 s14, $0xE;
	s13 =	sadd.s32 @!p1 s3, s13  }
0x18: {  	s14 =	sand.u32 @!p1 $0x4000, s14;
	s13 =	sadd.s32 @!p1 s15, s13;
	s15 =	simm.s32 @!p1 $0x0  }
0x19: {  	[tilespmem:s14], [sflag:$0x1] =	stream.linear.gather @!p1 [hbm4b:s13+s15], $0x4000, $0x38;
	[tilespmem:$0x10000] =	vst v63  }
0x1a: {  	p1 =	seq.s32 s8, $0x0  }
0x1b: {  	p2 =	seq.s32 @!p1 s8, $0x31  }
0x1c: {  	p1 =	por p1, p2  }
.Ltmp2:
0x1d: {  	_ = 	snop;
	(pc) =	sbr.rel @p1 .LBB1_7-.Ltmp2, $1  }
0x1e: {  	_ =	sdelay $0x3  }
0x1f: {  	s13 =	simm.s32 $0x1;
	_ =	swait.ge [sflag:s4], $0x4000;
	s16 =	sshll.u32 s8, $0xE  }
0x20: {  	s13 =	simm.s32 @!p0 $0x0;
	[sflag:s4] =	ssyncset.done $0x0;
	s31 =	sand.u32 $0x4000, s16  }
0x21: {  	s16 =	simm.s32 $0x0;
	s13 =	sshll.u32 s13, $0xE;
	[sflag:s4] =	ssyncadd.s32 $0xFFFFC000  }
0x22: {  	s14 =	sor.u32 $0x8040, s13;
	s15 =	sor.u32 $0x40, s13;
	s13 =	sor.u32 $0x8000, s31  }
.LBB1_3:
0x23: {  	v0 =	vmov s15;
	_ =	sdelay $0x3  }
0x24: {  	s18 =	simm.s32 $0x0  }
0x25: {  	v6 =	vld.idx.msk [tilespmem:v0+s18+$0x30 ss:$0x1], $0xffff  }
0x26: {  	v7 =	vld.idx.msk [tilespmem:v0+s18+$0xFFFFFFC0 ss:$0x1], $0xffff  }
0x27: {  	v5 =	vld.idx.msk [tilespmem:v0+s18+$0xFFFFFFD0 ss:$0x1], $0xffff  }
0x28: {  	v4 =	vld.idx.msk [tilespmem:v0+s18+$0xFFFFFFE0 ss:$0x1], $0xffff  }
0x29: {  	v3 =	vld.idx.msk [tilespmem:v0+s18+$0xFFFFFFF0 ss:$0x1], $0xffff  }
0x2a: {  	v1 =	vld.idx.msk [tilespmem:v0+s18+$0x0 ss:$0x1], $0xffff  }
0x2b: {  	v2 =	vld.idx.msk [tilespmem:v0+s18+$0x10 ss:$0x1], $0xffff;
	[tilespmem:s14+$0x30] =	vst v6  }
0x2c: {  	s17 =	simm.s32 $0x80;
	s19 =	simm.s32 $0x400;
	[tilespmem:s14+$0xFFFFFFC0] =	vst v7;
	v6 =	vld.idx.msk [tilespmem:v0+s18+$0x20 ss:$0x1], $0xffff;
	s18 =	smov.u32 s14  }
.LBB1_4:
0x2d: {  	p1 =	sne.s32 s19, $0xE00;
	v7 =	vld.idx.msk [tilespmem:v0+s17+$0x30 ss:$0x1], $0xffff;
	[tilespmem:s18+$0xFFFFFFD0] =	vst v5  }
0x2e: {  	v8 =	vld.idx.msk [tilespmem:v0+s17+$0xFFFFFFC0 ss:$0x1], $0xffff;
	[tilespmem:s18+$0xFFFFFFE0] =	vst v4  }
0x2f: {  	v5 =	vld.idx.msk [tilespmem:v0+s17+$0xFFFFFFD0 ss:$0x1], $0xffff;
	[tilespmem:s18+$0xFFFFFFF0] =	vst v3  }
.Ltmp3:
0x30: {  	v4 =	vld.idx.msk [tilespmem:v0+s17+$0xFFFFFFE0 ss:$0x1], $0xffff;
	[tilespmem:s18+$0x0] =	vst v1;
	(pc) =	sbr.rel @p1 .LBB1_4-.Ltmp3, $4  }
0x31: {  	v3 =	vld.idx.msk [tilespmem:v0+s17+$0xFFFFFFF0 ss:$0x1], $0xffff;
	[tilespmem:s18+$0x10] =	vst v2  }
0x32: {  	v1 =	vld.idx.msk [tilespmem:v0+s17+$0x0 ss:$0x1], $0xffff;
	[tilespmem:s18+$0x20] =	vst v6;
	s18 =	sadd.s32 $0x800, s18  }
0x33: {  	v2 =	vld.idx.msk [tilespmem:v0+s17+$0x10 ss:$0x1], $0xffff;
	[tilespmem:s18+$0x30] =	vst v7  }
0x34: {  	[tilespmem:s18+$0xFFFFFFC0] =	vst v8;
	v6 =	vld.idx.msk [tilespmem:v0+s17+$0x20 ss:$0x1], $0xffff;
	s17 =	sshra.s32 s19, $0x2;
	s19 =	sadd.s32 $0x200, s19  }
0x35: {  	_ =	sdelay $0x2  }
0x36: {  	[tilespmem:s18+$0xFFFFFFD0] =	vst v5  }
0x37: {  	v56 =	vld.idx.msk [tilespmem:v0+s17+$0x30 ss:$0x1], $0xffff;
	[tilespmem:s18+$0xFFFFFFE0] =	vst v4  }
0x38: {  	v57 =	vld.idx.msk [tilespmem:v0+s17+$0xFFFFFFC0 ss:$0x1], $0xffff;
	[tilespmem:s18+$0xFFFFFFF0] =	vst v3  }
0x39: {  	v58 =	vld.idx.msk [tilespmem:v0+s17+$0xFFFFFFD0 ss:$0x1], $0xffff;
	[tilespmem:s18+$0x0] =	vst v1  }
0x3a: {  	v59 =	vld.idx.msk [tilespmem:v0+s17+$0xFFFFFFE0 ss:$0x1], $0xffff;
	[tilespmem:s18+$0x10] =	vst v2  }
0x3b: {  	v60 =	vld.idx.msk [tilespmem:v0+s17+$0xFFFFFFF0 ss:$0x1], $0xffff;
	s31 =	sadd.s32 $0x800, s18;
	[tilespmem:s18+$0x20] =	vst v6  }
0x3c: {  	v61 =	vld.idx.msk [tilespmem:v0+s17+$0x0 ss:$0x1], $0xffff;
	[tilespmem:s31+$0x30] =	vst v56  }
0x3d: {  	v62 =	vld.idx.msk [tilespmem:v0+s17+$0x10 ss:$0x1], $0xffff;
	s16 =	sadd.s32 $0x1, s16;
	[tilespmem:s31+$0xFFFFFFC0] =	vst v57  }
0x3e: {  	v63 =	vld.idx.msk [tilespmem:v0+s17+$0x20 ss:$0x1], $0xffff;
	p1 =	sne.s32 s16, $0x10;
	[tilespmem:s31+$0xFFFFFFD0] =	vst v58  }
.Ltmp4:
0x3f: {  	[tilespmem:s31+$0xFFFFFFE0] =	vst v59;
	(pc) =	sbr.rel @p1 .LBB1_3-.Ltmp4, $4  }
0x40: {  	[tilespmem:s31+$0xFFFFFFF0] =	vst v60  }
0x41: {  	[tilespmem:s31+$0x0] =	vst v61  }
0x42: {  	[tilespmem:s31+$0x10] =	vst v62  }
0x43: {  	s14 =	sadd.s32 $0x80, s14;
	s15 =	sadd.s32 $0x400, s15;
	[tilespmem:s31+$0x20] =	vst v63  }
0x44: {  	s11 =	sand.u32 $0x1FFFFFF, s11  }
0x45: {  	s14 =	smulhi.u32 $0xAAAAAB, s11;
	_ =	sdelay $0x1  }
0x46: {  	s12 =	smul.u32 $0x18000, s12;
	s14 =	sshrl.u32 s14, $0x1  }
0x47: {  	s14 =	smul.u32 $0x300, s14  }
.Ltmp5:
0x48: {  	_ = 	snop;
	(pc) =	sbr.rel .LBB1_7-.Ltmp5, $4  }
0x49: {  	s11 =	ssub.s32 s11, s14  }
0x4a: {  	s12 =	sadd.s32 s2, s12;
	s11 =	sshll.u32 s11, $0x4  }
0x4b: {  	s11 =	sadd.s32 s11, s12  }
0x4c: {  	[hbm4b:s11+s6] =	stream.strided.scatter [tilespmem:s13], [sflag:$0x2], $0x4000, s7, s6, $0x38;
	[tilespmem:$0x10000] =	vst v63  }
.LBB1_8:
0x4d: {  	_ =	sfence.sel $0x180000  }
0x4e: {  	s2 =	simm.s32 $0x1;
	[bflag:$0x0] =	sbarrier.arrive $0xFFFF  }
0x4f: {  	s31 =	simm.s32 $0x2;
	[sflag:s2] =	ssyncpa.u1 $0x1  }
0x50: {  	[sflag:s31] =	ssyncpa.u1 $0x1  }
0x51: {  	p0 =	sne.s32 s1, $0x0;
	_ =	strace $0x9000004D  }
0x52: {  	s0 =	sadd.s32 @!p0 $0x100000, s0;
	[bflag:$0x2] =	sbarrier.arrive $0xFFFF  }
0x53: {  	[sflag:s0] =	ssyncadd.tile.s32 @!p0 $0x1;
	_ =	shalt  }
.Lfunc_end1:
_tile_overlayer_lowered:
.L_overlay_start_2:
0x54: {  	(tag) =	ssettag $0x2  }
0x55: {  	s0 =	rddreg [dreg:$0x0];
	s2 =	stileid.u32  }
0x56: {  	s1 =	rddreg [dreg:$0x1];
	p0 =	sne.s32 s2, $0x0  }
0x57: {  	s3 =	rddreg [dreg:$0x2];
	[bflag:$0x3] =	sbarrier.arrive $0xFFFF;
	s2 =	simm.s32 @!p0 $0x1C01  }
0x58: {  	[timem:s3], [sflag:s2] =	dma.local @!p0 [hbm:s0], s1  }
0x59: {  	s0 =	simm.s32 @!p0 $0x1  }
0x5a: {  	_ =	swait.ge @!p0 [sflag:s0], s1  }
0x5b: {  	s1 =	ssub.s32 @!p0 $0x0, s1;
	[sflag:s0] =	ssyncset.done @!p0 $0x0  }
0x5c: {  	[sflag:s0] =	ssyncadd.s32 @!p0 s1  }
0x5d: {  	[bflag:$0x3] =	sbarrier.arrive $0xFFFF  }
0x5e: {  	_ =	shalt  }

</sc_bundles>
